<compile_context>
chip_gen: v7x
topology: tpu7x:2x2x1
jax: 0.10.2.dev20260603
libtpu: 0.0.44.dev20260713+nightly
codegen_flags: <defaults>
</compile_context>

<pallas_src>
import functools

import jax
import jax.numpy as jnp
from jax import lax
from jax.experimental import pallas as pl
from jax.experimental.pallas import tpu as pltpu
from jax.experimental.pallas import tpu_sc as plsc

N = 10000
NP = 10240
NR = NP // 128
E = 320000
D = 128

NWORK = 32
EW = E // NWORK


def _noise_pad():
    v = jax.random.uniform(jax.random.key(1), (1, N), dtype=jnp.float32) * 0.1
    return jnp.pad(v, ((0, 0), (0, NP - N)), constant_values=jnp.inf)


def _sc_hist_body(src_hbm, out_hbm, idx_v, hist_v):
    c = lax.axis_index("c")
    s = lax.axis_index("s")
    w = s * 2 + c
    base = w * EW
    pltpu.sync_copy(src_hbm.at[pl.ds(base, EW)], idx_v)
    zeros16 = jnp.zeros((16,), jnp.float32)

    def zbody(i, carry):
        hist_v[i >> 3, pl.ds((i & 7) * 16, 16)] = zeros16
        return carry

    lax.fori_loop(0, NP // 16, zbody, 0, unroll=8)
    ones16 = jnp.ones((16,), jnp.float32)

    def body(i, carry):
        iv = idx_v[pl.ds(i * 16, 16)]
        plsc.addupdate_scatter(hist_v, [iv >> 7, iv & 127], ones16)
        return carry

    lax.fori_loop(0, EW // 16, body, 0, unroll=8)
    pltpu.sync_copy(hist_v, out_hbm.at[w])


_sc_hist = functools.partial(
    pl.kernel,
    out_type=jax.ShapeDtypeStruct((NWORK, NR, 128), jnp.float32),
    mesh=plsc.VectorSubcoreMesh(core_axis_name="c", subcore_axis_name="s",
                                num_cores=2, num_subcores=16),
    compiler_params=pltpu.CompilerParams(needs_layout_passes=False),
    scratch_types=[
        pltpu.VMEM((EW,), jnp.int32),
        pltpu.VMEM((NR, 128), jnp.float32),
    ],
)(_sc_hist_body)


def _tc_keys_body(part_ref, noise_ref, keys_ref):
    keys_ref[...] = noise_ref[...] + jnp.sum(part_ref[...], axis=0)


def _tc_keys(partials, noise):
    return pl.pallas_call(
        _tc_keys_body,
        out_shape=jax.ShapeDtypeStruct((NR, 128), jnp.float32),
    )(partials, noise)


BI = 1024
BJ = 1024


def _tc_rank_body(kcol_ref, krow_ref, rank_ref):
    gi = pl.program_id(0)
    gj = pl.program_id(1)
    ki = kcol_ref[...]
    kj = krow_ref[...]
    i_start = gi * BI
    j_start = gj * BJ
    ones = jnp.ones((BJ, 1), jnp.bfloat16)

    @pl.when(gj == 0)
    def _():
        rank_ref[...] = jnp.zeros((BI, 1), jnp.int32)

    def accum(mask):
        cnt = lax.dot_general(mask.astype(jnp.bfloat16), ones,
                              (((1,), (0,)), ((), ())),
                              preferred_element_type=jnp.float32)
        rank_ref[...] += cnt.astype(jnp.int32)

    @pl.when(j_start + BJ <= i_start)
    def _():
        accum(kj <= ki)

    @pl.when(j_start >= i_start + BI)
    def _():
        accum(kj < ki)

    @pl.when((j_start + BJ > i_start) & (j_start < i_start + BI))
    def _():
        irow = i_start + lax.broadcasted_iota(jnp.int32, (BI, 1), 0)
        jcol = j_start + lax.broadcasted_iota(jnp.int32, (1, BJ), 1)
        accum((kj < ki) | ((kj == ki) & (jcol < irow)))


def _tc_rank(kcol, krow):
    return pl.pallas_call(
        _tc_rank_body,
        grid=(NP // BI, NP // BJ),
        in_specs=[
            pl.BlockSpec((BI, 1), lambda gi, gj: (gi, 0)),
            pl.BlockSpec((1, BJ), lambda gi, gj: (0, gj)),
        ],
        out_specs=pl.BlockSpec((BI, 1), lambda gi, gj: (gi, 0)),
        out_shape=jax.ShapeDtypeStruct((NP, 1), jnp.int32),
    )(kcol, krow)


QW = NP // 16


def _sc_sg_body(rank_hbm, x_hbm, sidx_hbm, out_hbm,
                rank_v, rank2_v, vals_v, sidx_v, gidx_v, rows_v, spmem_sidx,
                sem):
    s = lax.axis_index("s")
    base = s * QW
    pltpu.sync_copy(rank_hbm.at[pl.ds(base, QW)], rank_v)
    iota16 = lax.iota(jnp.int32, 16)

    def vbody(k, carry):
        vals_v[k >> 3, pl.ds((k & 7) * 16, 16)] = base + k * 16 + iota16
        rank2_v[k >> 3, pl.ds((k & 7) * 16, 16)] = rank_v[pl.ds(k * 16, 16)]
        return carry

    lax.fori_loop(0, QW // 16, vbody, 0, unroll=8)
    cps = [pltpu.async_copy(vals_v.at[j], spmem_sidx.at[rank2_v.at[j]], sem)
           for j in range(QW // 128)]
    for cp in cps:
        cp.wait()
    plsc.subcore_barrier()
    pltpu.sync_copy(spmem_sidx.at[pl.ds(base, QW)], sidx_v)
    pltpu.sync_copy(sidx_v, sidx_hbm.at[pl.ds(base, QW)])
    nmax = jnp.full((16,), N - 1, jnp.int32)

    def cl_body(k, carry):
        gidx_v[k >> 3, pl.ds((k & 7) * 16, 16)] = jnp.minimum(
            sidx_v[pl.ds(k * 16, 16)], nmax)
        return carry

    lax.fori_loop(0, QW // 16, cl_body, 0, unroll=8)
    gcps = [pltpu.async_copy(x_hbm.at[gidx_v.at[j]],
                             rows_v.at[pl.ds(j * 128, 128)], sem)
            for j in range(QW // 128)]
    for cp in gcps:
        cp.wait()

    @pl.when(s < 15)
    def _():
        pltpu.sync_copy(rows_v, out_hbm.at[pl.ds(base, QW)])

    @pl.when(s == 15)
    def _():
        pltpu.sync_copy(rows_v.at[pl.ds(0, N - 15 * QW)],
                        out_hbm.at[pl.ds(base, N - 15 * QW)])


_sc_sg = functools.partial(
    pl.kernel,
    out_type=(jax.ShapeDtypeStruct((NP,), jnp.int32),
              jax.ShapeDtypeStruct((N, D), jnp.float32)),
    mesh=plsc.VectorSubcoreMesh(core_axis_name="c", subcore_axis_name="s",
                                num_cores=1, num_subcores=16),
    compiler_params=pltpu.CompilerParams(needs_layout_passes=False),
    scratch_types=[
        pltpu.VMEM((QW,), jnp.int32),
        pltpu.VMEM((QW // 128, 128), jnp.int32),
        pltpu.VMEM((QW // 128, 128), jnp.int32),
        pltpu.VMEM((QW,), jnp.int32),
        pltpu.VMEM((QW // 128, 128), jnp.int32),
        pltpu.VMEM((QW, D), jnp.float32),
        pltpu.VMEM_SHARED((NP,), jnp.int32),
        pltpu.SemaphoreType.DMA,
    ],
)(_sc_sg_body)


def kernel(x, edge_index):
    src = edge_index[0]
    partials = _sc_hist(src)
    keys = _tc_keys(partials, _noise_pad().reshape(NR, 128))
    rank = _tc_rank(keys.reshape(NP, 1), keys.reshape(1, NP))
    sidx_pad, x_sorted = _sc_sg(rank.reshape(NP), x)
    return (x_sorted[None], sidx_pad[:N][None])

# --- scband reference (transcript-rebuilt; emitter-appended) ---
"""Pipeline reference for scband-node-processor-31997506356067 (READ-ONLY COPY).

The authoritative reference and input builder live on the scoring server;
editing this copy changes nothing except your own understanding.
"""

import jax, jax.numpy as jnp
import numpy as np

N_NODES = 10000
N_EDGES = 320000
D_FEAT = 128


def setup_inputs(seed: int = 0) -> dict:
    key = jax.random.key(seed)
    kx, ke = jax.random.split(key)
    x = jax.random.normal(kx, (N_NODES, D_FEAT), dtype=jnp.float32)
    edge_index = jax.random.randint(ke, (2, N_EDGES), 0, N_NODES, dtype=jnp.int64 if jax.config.jax_enable_x64 else jnp.int32).astype(jnp.int32)
    return {"x": x, "edge_index": edge_index}


def reference(x, edge_index):
    # Faithful translation of NodeProcessor.forward (eval mode: Dropout is identity).
    if x.ndim == 2:
        x = x[None, :, :]
    batch, num_nodes, _ = x.shape
    src_nodes = edge_index[0]
    # scatter_add_ along dim 1: same indices broadcast over batch, duplicates accumulate
    node_degree = jnp.zeros((batch, num_nodes), dtype=x.dtype).at[:, src_nodes].add(1.0)
    # torch.rand_like(node_degree) * 0.1 -> deterministic uniform noise with fixed key;
    # nn.Dropout(0.1) is identity in eval mode
    noise = jax.random.uniform(jax.random.key(1), node_degree.shape, dtype=x.dtype) * 0.1
    sorted_idx = jnp.argsort(node_degree + noise, axis=-1)
    x_sorted = jnp.take_along_axis(x, sorted_idx[:, :, None], axis=1)
    return (x_sorted, sorted_idx)

if __name__ == "__main__":
    import jax
    _d = setup_inputs()
    print(jax.jit(kernel)(*tuple(_d.values())))

</pallas_src>

<mosaic_0001>
#map = affine_map<(d0, d1) -> (0)>
#map1 = affine_map<(d0, d1) -> (0, 0)>
module attributes {stable_mosaic.version = 14 : i64} {
  func.func @_sc_sg_body(%arg0: i32, %arg1: i32, %arg2: memref<10240xi32, #tpu.memory_space<hbm>>, %arg3: memref<10000x128xf32, #tpu.memory_space<hbm>>, %arg4: memref<10240xi32, #tpu.memory_space<hbm>>, %arg5: memref<10000x128xf32, #tpu.memory_space<hbm>>, %arg6: memref<640xi32, #tpu.memory_space<vmem>>, %arg7: memref<5x128xi32, #tpu.memory_space<vmem>>, %arg8: memref<5x128xi32, #tpu.memory_space<vmem>>, %arg9: memref<640xi32, #tpu.memory_space<vmem>>, %arg10: memref<5x128xi32, #tpu.memory_space<vmem>>, %arg11: memref<640x128xf32, #tpu.memory_space<vmem>>, %arg12: memref<10240xi32, #tpu.memory_space<vmem_shared>>, %arg13: memref<!tpu.dma_semaphore, #tpu.memory_space<semaphore_mem>>) attributes {dimension_semantics = [#tpu.dimension_semantics<core_parallel>, #tpu.dimension_semantics<subcore_parallel>], iteration_bounds = array<i64: 1, 16>, scalar_prefetch = 0 : i64, scratch_operands = 8 : i64, tpu.core_type = #tpu.core_type<sc_vector_subcore>, window_params = [{transform_indices = #map}, {transform_indices = #map1}, {transform_indices = #map}, {transform_indices = #map1}]} {
    %mul3A = arith.constant 640 : i32
    %mul3A_0 = arith.muli %arg1, %mul3A : i32
    "tpu.region"() ({
      %run_scoped3A = tpu.sem_alloc : memref<!tpu.dma_semaphore, #tpu.memory_space<semaphore_mem>>
      %dma_start3A_217 = tpu.memref_slice %arg2[%mul3A_0] : memref<10240xi32, #tpu.memory_space<hbm>> -> memref<640xi32, #tpu.memory_space<hbm>>
      %dma_start3A_218 = tpu.memref_slice %arg2[%mul3A_0] : memref<10240xi32, #tpu.memory_space<hbm>> -> memref<640xi32, #tpu.memory_space<hbm>>
      tpu.enqueue_dma source(%dma_start3A_218 : memref<640xi32, #tpu.memory_space<hbm>>) target(%arg6 : memref<640xi32, #tpu.memory_space<vmem>>) target_semaphore(%run_scoped3A : memref<!tpu.dma_semaphore, #tpu.memory_space<semaphore_mem>>)
      %dma_wait3A_219 = tpu.memref_slice %arg2[%mul3A_0] : memref<10240xi32, #tpu.memory_space<hbm>> -> memref<640xi32, #tpu.memory_space<hbm>>
      %dma_wait3A_220 = tpu.memref_slice %arg2[%mul3A_0] : memref<10240xi32, #tpu.memory_space<hbm>> -> memref<640xi32, #tpu.memory_space<hbm>>
      tpu.wait_dma2 semaphore(%run_scoped3A : memref<!tpu.dma_semaphore, #tpu.memory_space<semaphore_mem>>) src(%dma_wait3A_220 : memref<640xi32, #tpu.memory_space<hbm>>) dst(%arg6 : memref<640xi32, #tpu.memory_space<vmem>>)
      tpu.yield
    }) : () -> ()
    %iota3A = tpu.iota {dimensions = array<i32: 0>} : vector<16xi32>
    %scan3A = arith.constant 0 : i32
    %scan3A_1 = arith.constant 0 : i32
    %scan3A_2 = arith.constant 40 : i32
    %scan3A_3 = arith.addi %scan3A_1, %scan3A_2 : i32
    %scan3A_4 = arith.constant 8 : i32
    scf.for %scan3A_217 = %scan3A_1 to %scan3A_3 step %scan3A_4  : i32 {
      %mul3A_218 = arith.constant 16 : i32
      %mul3A_219 = arith.muli %scan3A_217, %mul3A_218 : i32
      %add3A = arith.addi %mul3A_0, %mul3A_219 : i32
      %add3A_220 = vector.broadcast %add3A : i32 to vector<16xi32>
      %add3A_221 = arith.addi %add3A_220, %iota3A : vector<16xi32>
      %shift_right_arithmetic3A = arith.constant 3 : i32
      %shift_right_arithmetic3A_222 = arith.shrsi %scan3A_217, %shift_right_arithmetic3A : i32
      %and3A = arith.constant 7 : i32
      %and3A_223 = arith.andi %scan3A_217, %and3A : i32
      %mul3A_224 = arith.constant 16 : i32
      %mul3A_225 = arith.muli %and3A_223, %mul3A_224 : i32
      %swap3A = arith.index_cast %shift_right_arithmetic3A_222 : i32 to index
      %swap3A_226 = arith.index_cast %mul3A_225 : i32 to index
      %swap3A_227 = tpu.vector_load %arg8[%swap3A, %swap3A_226] {strides = array<i32>} : memref<5x128xi32, #tpu.memory_space<vmem>>, vector<16xi32>,
      tpu.vector_store %arg8[%swap3A, %swap3A_226], %add3A_221 {strides = array<i32>} : memref<5x128xi32, #tpu.memory_space<vmem>>, vector<16xi32>,
      %mul3A_228 = arith.constant 16 : i32
      %mul3A_229 = arith.muli %scan3A_217, %mul3A_228 : i32
      %get3A = arith.index_cast %mul3A_229 : i32 to index
      %get3A_230 = tpu.vector_load %arg6[%get3A] {strides = array<i32>} : memref<640xi32, #tpu.memory_space<vmem>>, vector<16xi32>,
      %shift_right_arithmetic3A_231 = arith.constant 3 : i32
      %shift_right_arithmetic3A_232 = arith.shrsi %scan3A_217, %shift_right_arithmetic3A_231 : i32
      %and3A_233 = arith.constant 7 : i32
      %and3A_234 = arith.andi %scan3A_217, %and3A_233 : i32
      %mul3A_235 = arith.constant 16 : i32
      %mul3A_236 = arith.muli %and3A_234, %mul3A_235 : i32
      %swap3A_237 = arith.index_cast %shift_right_arithmetic3A_232 : i32 to index
      %swap3A_238 = arith.index_cast %mul3A_236 : i32 to index
      %swap3A_239 = tpu.vector_load %arg7[%swap3A_237, %swap3A_238] {strides = array<i32>} : memref<5x128xi32, #tpu.memory_space<vmem>>, vector<16xi32>,
      tpu.vector_store %arg7[%swap3A_237, %swap3A_238], %get3A_230 {strides = array<i32>} : memref<5x128xi32, #tpu.memory_space<vmem>>, vector<16xi32>,
      %scan3A_240 = arith.constant 1 : i32
      %scan3A_241 = arith.addi %scan3A_217, %scan3A_240 : i32
      %mul3A_242 = arith.constant 16 : i32
      %mul3A_243 = arith.muli %scan3A_241, %mul3A_242 : i32
      %add3A_244 = arith.addi %mul3A_0, %mul3A_243 : i32
      %add3A_245 = vector.broadcast %add3A_244 : i32 to vector<16xi32>
      %add3A_246 = arith.addi %add3A_245, %iota3A : vector<16xi32>
      %shift_right_arithmetic3A_247 = arith.constant 3 : i32
      %shift_right_arithmetic3A_248 = arith.shrsi %scan3A_241, %shift_right_arithmetic3A_247 : i32
      %and3A_249 = arith.constant 7 : i32
      %and3A_250 = arith.andi %scan3A_241, %and3A_249 : i32
      %mul3A_251 = arith.constant 16 : i32
      %mul3A_252 = arith.muli %and3A_250, %mul3A_251 : i32
      %swap3A_253 = arith.index_cast %shift_right_arithmetic3A_248 : i32 to index
      %swap3A_254 = arith.index_cast %mul3A_252 : i32 to index
      %swap3A_255 = tpu.vector_load %arg8[%swap3A_253, %swap3A_254] {strides = array<i32>} : memref<5x128xi32, #tpu.memory_space<vmem>>, vector<16xi32>,
      tpu.vector_store %arg8[%swap3A_253, %swap3A_254], %add3A_246 {strides = array<i32>} : memref<5x128xi32, #tpu.memory_space<vmem>>, vector<16xi32>,
      %mul3A_256 = arith.constant 16 : i32
      %mul3A_257 = arith.muli %scan3A_241, %mul3A_256 : i32
      %get3A_258 = arith.index_cast %mul3A_257 : i32 to index
      %get3A_259 = tpu.vector_load %arg6[%get3A_258] {strides = array<i32>} : memref<640xi32, #tpu.memory_space<vmem>>, vector<16xi32>,
      %shift_right_arithmetic3A_260 = arith.constant 3 : i32
      %shift_right_arithmetic3A_261 = arith.shrsi %scan3A_241, %shift_right_arithmetic3A_260 : i32
      %and3A_262 = arith.constant 7 : i32
      %and3A_263 = arith.andi %scan3A_241, %and3A_262 : i32
      %mul3A_264 = arith.constant 16 : i32
      %mul3A_265 = arith.muli %and3A_263, %mul3A_264 : i32
      %swap3A_266 = arith.index_cast %shift_right_arithmetic3A_261 : i32 to index
      %swap3A_267 = arith.index_cast %mul3A_265 : i32 to index
      %swap3A_268 = tpu.vector_load %arg7[%swap3A_266, %swap3A_267] {strides = array<i32>} : memref<5x128xi32, #tpu.memory_space<vmem>>, vector<16xi32>,
      tpu.vector_store %arg7[%swap3A_266, %swap3A_267], %get3A_259 {strides = array<i32>} : memref<5x128xi32, #tpu.memory_space<vmem>>, vector<16xi32>,
      %scan3A_269 = arith.constant 2 : i32
      %scan3A_270 = arith.addi %scan3A_217, %scan3A_269 : i32
      %mul3A_271 = arith.constant 16 : i32
      %mul3A_272 = arith.muli %scan3A_270, %mul3A_271 : i32
      %add3A_273 = arith.addi %mul3A_0, %mul3A_272 : i32
      %add3A_274 = vector.broadcast %add3A_273 : i32 to vector<16xi32>
      %add3A_275 = arith.addi %add3A_274, %iota3A : vector<16xi32>
      %shift_right_arithmetic3A_276 = arith.constant 3 : i32
      %shift_right_arithmetic3A_277 = arith.shrsi %scan3A_270, %shift_right_arithmetic3A_276 : i32
      %and3A_278 = arith.constant 7 : i32
      %and3A_279 = arith.andi %scan3A_270, %and3A_278 : i32
      %mul3A_280 = arith.constant 16 : i32
      %mul3A_281 = arith.muli %and3A_279, %mul3A_280 : i32
      %swap3A_282 = arith.index_cast %shift_right_arithmetic3A_277 : i32 to index
      %swap3A_283 = arith.index_cast %mul3A_281 : i32 to index
      %swap3A_284 = tpu.vector_load %arg8[%swap3A_282, %swap3A_283] {strides = array<i32>} : memref<5x128xi32, #tpu.memory_space<vmem>>, vector<16xi32>,
      tpu.vector_store %arg8[%swap3A_282, %swap3A_283], %add3A_275 {strides = array<i32>} : memref<5x128xi32, #tpu.memory_space<vmem>>, vector<16xi32>,
      %mul3A_285 = arith.constant 16 : i32
      %mul3A_286 = arith.muli %scan3A_270, %mul3A_285 : i32
      %get3A_287 = arith.index_cast %mul3A_286 : i32 to index
      %get3A_288 = tpu.vector_load %arg6[%get3A_287] {strides = array<i32>} : memref<640xi32, #tpu.memory_space<vmem>>, vector<16xi32>,
      %shift_right_arithmetic3A_289 = arith.constant 3 : i32
      %shift_right_arithmetic3A_290 = arith.shrsi %scan3A_270, %shift_right_arithmetic3A_289 : i32
      %and3A_291 = arith.constant 7 : i32
      %and3A_292 = arith.andi %scan3A_270, %and3A_291 : i32
      %mul3A_293 = arith.constant 16 : i32
      %mul3A_294 = arith.muli %and3A_292, %mul3A_293 : i32
      %swap3A_295 = arith.index_cast %shift_right_arithmetic3A_290 : i32 to index
      %swap3A_296 = arith.index_cast %mul3A_294 : i32 to index
      %swap3A_297 = tpu.vector_load %arg7[%swap3A_295, %swap3A_296] {strides = array<i32>} : memref<5x128xi32, #tpu.memory_space<vmem>>, vector<16xi32>,
      tpu.vector_store %arg7[%swap3A_295, %swap3A_296], %get3A_288 {strides = array<i32>} : memref<5x128xi32, #tpu.memory_space<vmem>>, vector<16xi32>,
      %scan3A_298 = arith.constant 3 : i32
      %scan3A_299 = arith.addi %scan3A_217, %scan3A_298 : i32
      %mul3A_300 = arith.constant 16 : i32
      %mul3A_301 = arith.muli %scan3A_299, %mul3A_300 : i32
      %add3A_302 = arith.addi %mul3A_0, %mul3A_301 : i32
      %add3A_303 = vector.broadcast %add3A_302 : i32 to vector<16xi32>
      %add3A_304 = arith.addi %add3A_303, %iota3A : vector<16xi32>
      %shift_right_arithmetic3A_305 = arith.constant 3 : i32
      %shift_right_arithmetic3A_306 = arith.shrsi %scan3A_299, %shift_right_arithmetic3A_305 : i32
      %and3A_307 = arith.constant 7 : i32
      %and3A_308 = arith.andi %scan3A_299, %and3A_307 : i32
      %mul3A_309 = arith.constant 16 : i32
      %mul3A_310 = arith.muli %and3A_308, %mul3A_309 : i32
      %swap3A_311 = arith.index_cast %shift_right_arithmetic3A_306 : i32 to index
      %swap3A_312 = arith.index_cast %mul3A_310 : i32 to index
      %swap3A_313 = tpu.vector_load %arg8[%swap3A_311, %swap3A_312] {strides = array<i32>} : memref<5x128xi32, #tpu.memory_space<vmem>>, vector<16xi32>,
      tpu.vector_store %arg8[%swap3A_311, %swap3A_312], %add3A_304 {strides = array<i32>} : memref<5x128xi32, #tpu.memory_space<vmem>>, vector<16xi32>,
      %mul3A_314 = arith.constant 16 : i32
      %mul3A_315 = arith.muli %scan3A_299, %mul3A_314 : i32
      %get3A_316 = arith.index_cast %mul3A_315 : i32 to index
      %get3A_317 = tpu.vector_load %arg6[%get3A_316] {strides = array<i32>} : memref<640xi32, #tpu.memory_space<vmem>>, vector<16xi32>,
      %shift_right_arithmetic3A_318 = arith.constant 3 : i32
      %shift_right_arithmetic3A_319 = arith.shrsi %scan3A_299, %shift_right_arithmetic3A_318 : i32
      %and3A_320 = arith.constant 7 : i32
      %and3A_321 = arith.andi %scan3A_299, %and3A_320 : i32
      %mul3A_322 = arith.constant 16 : i32
      %mul3A_323 = arith.muli %and3A_321, %mul3A_322 : i32
      %swap3A_324 = arith.index_cast %shift_right_arithmetic3A_319 : i32 to index
      %swap3A_325 = arith.index_cast %mul3A_323 : i32 to index
      %swap3A_326 = tpu.vector_load %arg7[%swap3A_324, %swap3A_325] {strides = array<i32>} : memref<5x128xi32, #tpu.memory_space<vmem>>, vector<16xi32>,
      tpu.vector_store %arg7[%swap3A_324, %swap3A_325], %get3A_317 {strides = array<i32>} : memref<5x128xi32, #tpu.memory_space<vmem>>, vector<16xi32>,
      %scan3A_327 = arith.constant 4 : i32
      %scan3A_328 = arith.addi %scan3A_217, %scan3A_327 : i32
      %mul3A_329 = arith.constant 16 : i32
      %mul3A_330 = arith.muli %scan3A_328, %mul3A_329 : i32
      %add3A_331 = arith.addi %mul3A_0, %mul3A_330 : i32
      %add3A_332 = vector.broadcast %add3A_331 : i32 to vector<16xi32>
      %add3A_333 = arith.addi %add3A_332, %iota3A : vector<16xi32>
      %shift_right_arithmetic3A_334 = arith.constant 3 : i32
      %shift_right_arithmetic3A_335 = arith.shrsi %scan3A_328, %shift_right_arithmetic3A_334 : i32
      %and3A_336 = arith.constant 7 : i32
      %and3A_337 = arith.andi %scan3A_328, %and3A_336 : i32
      %mul3A_338 = arith.constant 16 : i32
      %mul3A_339 = arith.muli %and3A_337, %mul3A_338 : i32
      %swap3A_340 = arith.index_cast %shift_right_arithmetic3A_335 : i32 to index
      %swap3A_341 = arith.index_cast %mul3A_339 : i32 to index
      %swap3A_342 = tpu.vector_load %arg8[%swap3A_340, %swap3A_341] {strides = array<i32>} : memref<5x128xi32, #tpu.memory_space<vmem>>, vector<16xi32>,
      tpu.vector_store %arg8[%swap3A_340, %swap3A_341], %add3A_333 {strides = array<i32>} : memref<5x128xi32, #tpu.memory_space<vmem>>, vector<16xi32>,
      %mul3A_343 = arith.constant 16 : i32
      %mul3A_344 = arith.muli %scan3A_328, %mul3A_343 : i32
      %get3A_345 = arith.index_cast %mul3A_344 : i32 to index
      %get3A_346 = tpu.vector_load %arg6[%get3A_345] {strides = array<i32>} : memref<640xi32, #tpu.memory_space<vmem>>, vector<16xi32>,
      %shift_right_arithmetic3A_347 = arith.constant 3 : i32
      %shift_right_arithmetic3A_348 = arith.shrsi %scan3A_328, %shift_right_arithmetic3A_347 : i32
      %and3A_349 = arith.constant 7 : i32
      %and3A_350 = arith.andi %scan3A_328, %and3A_349 : i32
      %mul3A_351 = arith.constant 16 : i32
      %mul3A_352 = arith.muli %and3A_350, %mul3A_351 : i32
      %swap3A_353 = arith.index_cast %shift_right_arithmetic3A_348 : i32 to index
      %swap3A_354 = arith.index_cast %mul3A_352 : i32 to index
      %swap3A_355 = tpu.vector_load %arg7[%swap3A_353, %swap3A_354] {strides = array<i32>} : memref<5x128xi32, #tpu.memory_space<vmem>>, vector<16xi32>,
      tpu.vector_store %arg7[%swap3A_353, %swap3A_354], %get3A_346 {strides = array<i32>} : memref<5x128xi32, #tpu.memory_space<vmem>>, vector<16xi32>,
      %scan3A_356 = arith.constant 5 : i32
      %scan3A_357 = arith.addi %scan3A_217, %scan3A_356 : i32
      %mul3A_358 = arith.constant 16 : i32
      %mul3A_359 = arith.muli %scan3A_357, %mul3A_358 : i32
      %add3A_360 = arith.addi %mul3A_0, %mul3A_359 : i32
      %add3A_361 = vector.broadcast %add3A_360 : i32 to vector<16xi32>
      %add3A_362 = arith.addi %add3A_361, %iota3A : vector<16xi32>
      %shift_right_arithmetic3A_363 = arith.constant 3 : i32
      %shift_right_arithmetic3A_364 = arith.shrsi %scan3A_357, %shift_right_arithmetic3A_363 : i32
      %and3A_365 = arith.constant 7 : i32
      %and3A_366 = arith.andi %scan3A_357, %and3A_365 : i32
      %mul3A_367 = arith.constant 16 : i32
      %mul3A_368 = arith.muli %and3A_366, %mul3A_367 : i32
      %swap3A_369 = arith.index_cast %shift_right_arithmetic3A_364 : i32 to index
      %swap3A_370 = arith.index_cast %mul3A_368 : i32 to index
      %swap3A_371 = tpu.vector_load %arg8[%swap3A_369, %swap3A_370] {strides = array<i32>} : memref<5x128xi32, #tpu.memory_space<vmem>>, vector<16xi32>,
      tpu.vector_store %arg8[%swap3A_369, %swap3A_370], %add3A_362 {strides = array<i32>} : memref<5x128xi32, #tpu.memory_space<vmem>>, vector<16xi32>,
      %mul3A_372 = arith.constant 16 : i32
      %mul3A_373 = arith.muli %scan3A_357, %mul3A_372 : i32
      %get3A_374 = arith.index_cast %mul3A_373 : i32 to index
      %get3A_375 = tpu.vector_load %arg6[%get3A_374] {strides = array<i32>} : memref<640xi32, #tpu.memory_space<vmem>>, vector<16xi32>,
      %shift_right_arithmetic3A_376 = arith.constant 3 : i32
      %shift_right_arithmetic3A_377 = arith.shrsi %scan3A_357, %shift_right_arithmetic3A_376 : i32
      %and3A_378 = arith.constant 7 : i32
      %and3A_379 = arith.andi %scan3A_357, %and3A_378 : i32
      %mul3A_380 = arith.constant 16 : i32
      %mul3A_381 = arith.muli %and3A_379, %mul3A_380 : i32
      %swap3A_382 = arith.index_cast %shift_right_arithmetic3A_377 : i32 to index
      %swap3A_383 = arith.index_cast %mul3A_381 : i32 to index
      %swap3A_384 = tpu.vector_load %arg7[%swap3A_382, %swap3A_383] {strides = array<i32>} : memref<5x128xi32, #tpu.memory_space<vmem>>, vector<16xi32>,
      tpu.vector_store %arg7[%swap3A_382, %swap3A_383], %get3A_375 {strides = array<i32>} : memref<5x128xi32, #tpu.memory_space<vmem>>, vector<16xi32>,
      %scan3A_385 = arith.constant 6 : i32
      %scan3A_386 = arith.addi %scan3A_217, %scan3A_385 : i32
      %mul3A_387 = arith.constant 16 : i32
      %mul3A_388 = arith.muli %scan3A_386, %mul3A_387 : i32
      %add3A_389 = arith.addi %mul3A_0, %mul3A_388 : i32
      %add3A_390 = vector.broadcast %add3A_389 : i32 to vector<16xi32>
      %add3A_391 = arith.addi %add3A_390, %iota3A : vector<16xi32>
      %shift_right_arithmetic3A_392 = arith.constant 3 : i32
      %shift_right_arithmetic3A_393 = arith.shrsi %scan3A_386, %shift_right_arithmetic3A_392 : i32
      %and3A_394 = arith.constant 7 : i32
      %and3A_395 = arith.andi %scan3A_386, %and3A_394 : i32
      %mul3A_396 = arith.constant 16 : i32
      %mul3A_397 = arith.muli %and3A_395, %mul3A_396 : i32
      %swap3A_398 = arith.index_cast %shift_right_arithmetic3A_393 : i32 to index
      %swap3A_399 = arith.index_cast %mul3A_397 : i32 to index
      %swap3A_400 = tpu.vector_load %arg8[%swap3A_398, %swap3A_399] {strides = array<i32>} : memref<5x128xi32, #tpu.memory_space<vmem>>, vector<16xi32>,
      tpu.vector_store %arg8[%swap3A_398, %swap3A_399], %add3A_391 {strides = array<i32>} : memref<5x128xi32, #tpu.memory_space<vmem>>, vector<16xi32>,
      %mul3A_401 = arith.constant 16 : i32
      %mul3A_402 = arith.muli %scan3A_386, %mul3A_401 : i32
      %get3A_403 = arith.index_cast %mul3A_402 : i32 to index
      %get3A_404 = tpu.vector_load %arg6[%get3A_403] {strides = array<i32>} : memref<640xi32, #tpu.memory_space<vmem>>, vector<16xi32>,
      %shift_right_arithmetic3A_405 = arith.constant 3 : i32
      %shift_right_arithmetic3A_406 = arith.shrsi %scan3A_386, %shift_right_arithmetic3A_405 : i32
      %and3A_407 = arith.constant 7 : i32
      %and3A_408 = arith.andi %scan3A_386, %and3A_407 : i32
      %mul3A_409 = arith.constant 16 : i32
      %mul3A_410 = arith.muli %and3A_408, %mul3A_409 : i32
      %swap3A_411 = arith.index_cast %shift_right_arithmetic3A_406 : i32 to index
      %swap3A_412 = arith.index_cast %mul3A_410 : i32 to index
      %swap3A_413 = tpu.vector_load %arg7[%swap3A_411, %swap3A_412] {strides = array<i32>} : memref<5x128xi32, #tpu.memory_space<vmem>>, vector<16xi32>,
      tpu.vector_store %arg7[%swap3A_411, %swap3A_412], %get3A_404 {strides = array<i32>} : memref<5x128xi32, #tpu.memory_space<vmem>>, vector<16xi32>,
      %scan3A_414 = arith.constant 7 : i32
      %scan3A_415 = arith.addi %scan3A_217, %scan3A_414 : i32
      %mul3A_416 = arith.constant 16 : i32
      %mul3A_417 = arith.muli %scan3A_415, %mul3A_416 : i32
      %add3A_418 = arith.addi %mul3A_0, %mul3A_417 : i32
      %add3A_419 = vector.broadcast %add3A_418 : i32 to vector<16xi32>
      %add3A_420 = arith.addi %add3A_419, %iota3A : vector<16xi32>
      %shift_right_arithmetic3A_421 = arith.constant 3 : i32
      %shift_right_arithmetic3A_422 = arith.shrsi %scan3A_415, %shift_right_arithmetic3A_421 : i32
      %and3A_423 = arith.constant 7 : i32
      %and3A_424 = arith.andi %scan3A_415, %and3A_423 : i32
      %mul3A_425 = arith.constant 16 : i32
      %mul3A_426 = arith.muli %and3A_424, %mul3A_425 : i32
      %swap3A_427 = arith.index_cast %shift_right_arithmetic3A_422 : i32 to index
      %swap3A_428 = arith.index_cast %mul3A_426 : i32 to index
      %swap3A_429 = tpu.vector_load %arg8[%swap3A_427, %swap3A_428] {strides = array<i32>} : memref<5x128xi32, #tpu.memory_space<vmem>>, vector<16xi32>,
      tpu.vector_store %arg8[%swap3A_427, %swap3A_428], %add3A_420 {strides = array<i32>} : memref<5x128xi32, #tpu.memory_space<vmem>>, vector<16xi32>,
      %mul3A_430 = arith.constant 16 : i32
      %mul3A_431 = arith.muli %scan3A_415, %mul3A_430 : i32
      %get3A_432 = arith.index_cast %mul3A_431 : i32 to index
      %get3A_433 = tpu.vector_load %arg6[%get3A_432] {strides = array<i32>} : memref<640xi32, #tpu.memory_space<vmem>>, vector<16xi32>,
      %shift_right_arithmetic3A_434 = arith.constant 3 : i32
      %shift_right_arithmetic3A_435 = arith.shrsi %scan3A_415, %shift_right_arithmetic3A_434 : i32
      %and3A_436 = arith.constant 7 : i32
      %and3A_437 = arith.andi %scan3A_415, %and3A_436 : i32
      %mul3A_438 = arith.constant 16 : i32
      %mul3A_439 = arith.muli %and3A_437, %mul3A_438 : i32
      %swap3A_440 = arith.index_cast %shift_right_arithmetic3A_435 : i32 to index
      %swap3A_441 = arith.index_cast %mul3A_439 : i32 to index
      %swap3A_442 = tpu.vector_load %arg7[%swap3A_440, %swap3A_441] {strides = array<i32>} : memref<5x128xi32, #tpu.memory_space<vmem>>, vector<16xi32>,
      tpu.vector_store %arg7[%swap3A_440, %swap3A_441], %get3A_433 {strides = array<i32>} : memref<5x128xi32, #tpu.memory_space<vmem>>, vector<16xi32>,
    }
    %scan3A_5 = arith.constant 40 : i32
    %dma_start3A = arith.constant 0 : i32
    %dma_start3A_6 = arith.constant 0 : i32
    %dma_start3A_7 = arith.constant 0 : i32
    %dma_start3A_8 = tpu.memref_slice %arg8[%dma_start3A, %dma_start3A_7] : memref<5x128xi32, #tpu.memory_space<vmem>> -> memref<1x128xi32, #tpu.memory_space<vmem>>
    %dma_start3A_9 = tpu.memref_squeeze %dma_start3A_8 : memref<1x128xi32, #tpu.memory_space<vmem>> -> memref<128xi32, #tpu.memory_space<vmem>>
    %dma_start3A_10 = arith.constant 0 : i32
    %dma_start3A_11 = tpu.memref_slice %arg7[%dma_start3A_6, %dma_start3A_10] : memref<5x128xi32, #tpu.memory_space<vmem>> -> memref<1x128xi32, #tpu.memory_space<vmem>>
    %dma_start3A_12 = tpu.memref_squeeze %dma_start3A_11 : memref<1x128xi32, #tpu.memory_space<vmem>> -> memref<128xi32, #tpu.memory_space<vmem>>
    %dma_start3A_13 = arith.constant 0 : i32
    %dma_start3A_14 = tpu.memref_slice %arg12[%dma_start3A_13] : memref<10240xi32, #tpu.memory_space<vmem_shared>> -> memref<10240xi32, #tpu.memory_space<vmem_shared>>
    tpu.enqueue_indirect_dma source(%dma_start3A_9 : memref<128xi32, #tpu.memory_space<vmem>>) target(%dma_start3A_14 : memref<10240xi32, #tpu.memory_space<vmem_shared>>) offsets(%dma_start3A_12 : memref<128xi32, #tpu.memory_space<vmem>>) semaphore(%arg13 : memref<!tpu.dma_semaphore, #tpu.memory_space<semaphore_mem>>)
    %dma_start3A_15 = arith.constant 1 : i32
    %dma_start3A_16 = arith.constant 1 : i32
    %dma_start3A_17 = arith.constant 0 : i32
    %dma_start3A_18 = tpu.memref_slice %arg8[%dma_start3A_15, %dma_start3A_17] : memref<5x128xi32, #tpu.memory_space<vmem>> -> memref<1x128xi32, #tpu.memory_space<vmem>>
    %dma_start3A_19 = tpu.memref_squeeze %dma_start3A_18 : memref<1x128xi32, #tpu.memory_space<vmem>> -> memref<128xi32, #tpu.memory_space<vmem>>
    %dma_start3A_20 = arith.constant 0 : i32
    %dma_start3A_21 = tpu.memref_slice %arg7[%dma_start3A_16, %dma_start3A_20] : memref<5x128xi32, #tpu.memory_space<vmem>> -> memref<1x128xi32, #tpu.memory_space<vmem>>
    %dma_start3A_22 = tpu.memref_squeeze %dma_start3A_21 : memref<1x128xi32, #tpu.memory_space<vmem>> -> memref<128xi32, #tpu.memory_space<vmem>>
    %dma_start3A_23 = arith.constant 0 : i32
    %dma_start3A_24 = tpu.memref_slice %arg12[%dma_start3A_23] : memref<10240xi32, #tpu.memory_space<vmem_shared>> -> memref<10240xi32, #tpu.memory_space<vmem_shared>>
    tpu.enqueue_indirect_dma source(%dma_start3A_19 : memref<128xi32, #tpu.memory_space<vmem>>) target(%dma_start3A_24 : memref<10240xi32, #tpu.memory_space<vmem_shared>>) offsets(%dma_start3A_22 : memref<128xi32, #tpu.memory_space<vmem>>) semaphore(%arg13 : memref<!tpu.dma_semaphore, #tpu.memory_space<semaphore_mem>>)
    %dma_start3A_25 = arith.constant 2 : i32
    %dma_start3A_26 = arith.constant 2 : i32
    %dma_start3A_27 = arith.constant 0 : i32
    %dma_start3A_28 = tpu.memref_slice %arg8[%dma_start3A_25, %dma_start3A_27] : memref<5x128xi32, #tpu.memory_space<vmem>> -> memref<1x128xi32, #tpu.memory_space<vmem>>
    %dma_start3A_29 = tpu.memref_squeeze %dma_start3A_28 : memref<1x128xi32, #tpu.memory_space<vmem>> -> memref<128xi32, #tpu.memory_space<vmem>>
    %dma_start3A_30 = arith.constant 0 : i32
    %dma_start3A_31 = tpu.memref_slice %arg7[%dma_start3A_26, %dma_start3A_30] : memref<5x128xi32, #tpu.memory_space<vmem>> -> memref<1x128xi32, #tpu.memory_space<vmem>>
    %dma_start3A_32 = tpu.memref_squeeze %dma_start3A_31 : memref<1x128xi32, #tpu.memory_space<vmem>> -> memref<128xi32, #tpu.memory_space<vmem>>
    %dma_start3A_33 = arith.constant 0 : i32
    %dma_start3A_34 = tpu.memref_slice %arg12[%dma_start3A_33] : memref<10240xi32, #tpu.memory_space<vmem_shared>> -> memref<10240xi32, #tpu.memory_space<vmem_shared>>
    tpu.enqueue_indirect_dma source(%dma_start3A_29 : memref<128xi32, #tpu.memory_space<vmem>>) target(%dma_start3A_34 : memref<10240xi32, #tpu.memory_space<vmem_shared>>) offsets(%dma_start3A_32 : memref<128xi32, #tpu.memory_space<vmem>>) semaphore(%arg13 : memref<!tpu.dma_semaphore, #tpu.memory_space<semaphore_mem>>)
    %dma_start3A_35 = arith.constant 3 : i32
    %dma_start3A_36 = arith.constant 3 : i32
    %dma_start3A_37 = arith.constant 0 : i32
    %dma_start3A_38 = tpu.memref_slice %arg8[%dma_start3A_35, %dma_start3A_37] : memref<5x128xi32, #tpu.memory_space<vmem>> -> memref<1x128xi32, #tpu.memory_space<vmem>>
    %dma_start3A_39 = tpu.memref_squeeze %dma_start3A_38 : memref<1x128xi32, #tpu.memory_space<vmem>> -> memref<128xi32, #tpu.memory_space<vmem>>
    %dma_start3A_40 = arith.constant 0 : i32
    %dma_start3A_41 = tpu.memref_slice %arg7[%dma_start3A_36, %dma_start3A_40] : memref<5x128xi32, #tpu.memory_space<vmem>> -> memref<1x128xi32, #tpu.memory_space<vmem>>
    %dma_start3A_42 = tpu.memref_squeeze %dma_start3A_41 : memref<1x128xi32, #tpu.memory_space<vmem>> -> memref<128xi32, #tpu.memory_space<vmem>>
    %dma_start3A_43 = arith.constant 0 : i32
    %dma_start3A_44 = tpu.memref_slice %arg12[%dma_start3A_43] : memref<10240xi32, #tpu.memory_space<vmem_shared>> -> memref<10240xi32, #tpu.memory_space<vmem_shared>>
    tpu.enqueue_indirect_dma source(%dma_start3A_39 : memref<128xi32, #tpu.memory_space<vmem>>) target(%dma_start3A_44 : memref<10240xi32, #tpu.memory_space<vmem_shared>>) offsets(%dma_start3A_42 : memref<128xi32, #tpu.memory_space<vmem>>) semaphore(%arg13 : memref<!tpu.dma_semaphore, #tpu.memory_space<semaphore_mem>>)
    %dma_start3A_45 = arith.constant 4 : i32
    %dma_start3A_46 = arith.constant 4 : i32
    %dma_start3A_47 = arith.constant 0 : i32
    %dma_start3A_48 = tpu.memref_slice %arg8[%dma_start3A_45, %dma_start3A_47] : memref<5x128xi32, #tpu.memory_space<vmem>> -> memref<1x128xi32, #tpu.memory_space<vmem>>
    %dma_start3A_49 = tpu.memref_squeeze %dma_start3A_48 : memref<1x128xi32, #tpu.memory_space<vmem>> -> memref<128xi32, #tpu.memory_space<vmem>>
    %dma_start3A_50 = arith.constant 0 : i32
    %dma_start3A_51 = tpu.memref_slice %arg7[%dma_start3A_46, %dma_start3A_50] : memref<5x128xi32, #tpu.memory_space<vmem>> -> memref<1x128xi32, #tpu.memory_space<vmem>>
    %dma_start3A_52 = tpu.memref_squeeze %dma_start3A_51 : memref<1x128xi32, #tpu.memory_space<vmem>> -> memref<128xi32, #tpu.memory_space<vmem>>
    %dma_start3A_53 = arith.constant 0 : i32
    %dma_start3A_54 = tpu.memref_slice %arg12[%dma_start3A_53] : memref<10240xi32, #tpu.memory_space<vmem_shared>> -> memref<10240xi32, #tpu.memory_space<vmem_shared>>
    tpu.enqueue_indirect_dma source(%dma_start3A_49 : memref<128xi32, #tpu.memory_space<vmem>>) target(%dma_start3A_54 : memref<10240xi32, #tpu.memory_space<vmem_shared>>) offsets(%dma_start3A_52 : memref<128xi32, #tpu.memory_space<vmem>>) semaphore(%arg13 : memref<!tpu.dma_semaphore, #tpu.memory_space<semaphore_mem>>)
    %dma_wait3A = arith.constant 0 : i32
    %dma_wait3A_55 = arith.constant 0 : i32
    %dma_wait3A_56 = arith.constant 0 : i32
    %dma_wait3A_57 = tpu.memref_slice %arg8[%dma_wait3A, %dma_wait3A_56] : memref<5x128xi32, #tpu.memory_space<vmem>> -> memref<1x128xi32, #tpu.memory_space<vmem>>
    %dma_wait3A_58 = tpu.memref_squeeze %dma_wait3A_57 : memref<1x128xi32, #tpu.memory_space<vmem>> -> memref<128xi32, #tpu.memory_space<vmem>>
    %dma_wait3A_59 = arith.constant 0 : i32
    %dma_wait3A_60 = tpu.memref_slice %arg7[%dma_wait3A_55, %dma_wait3A_59] : memref<5x128xi32, #tpu.memory_space<vmem>> -> memref<1x128xi32, #tpu.memory_space<vmem>>
    %dma_wait3A_61 = tpu.memref_squeeze %dma_wait3A_60 : memref<1x128xi32, #tpu.memory_space<vmem>> -> memref<128xi32, #tpu.memory_space<vmem>>
    %dma_wait3A_62 = arith.constant 0 : i32
    %dma_wait3A_63 = tpu.memref_slice %arg12[%dma_wait3A_62] : memref<10240xi32, #tpu.memory_space<vmem_shared>> -> memref<10240xi32, #tpu.memory_space<vmem_shared>>
    tpu.wait_indirect_dma semaphore(%arg13 : memref<!tpu.dma_semaphore, #tpu.memory_space<semaphore_mem>>) src(%dma_wait3A_58 : memref<128xi32, #tpu.memory_space<vmem>>) dst(%dma_wait3A_63 : memref<10240xi32, #tpu.memory_space<vmem_shared>>)
    %dma_wait3A_64 = arith.constant 1 : i32
    %dma_wait3A_65 = arith.constant 1 : i32
    %dma_wait3A_66 = arith.constant 0 : i32
    %dma_wait3A_67 = tpu.memref_slice %arg8[%dma_wait3A_64, %dma_wait3A_66] : memref<5x128xi32, #tpu.memory_space<vmem>> -> memref<1x128xi32, #tpu.memory_space<vmem>>
    %dma_wait3A_68 = tpu.memref_squeeze %dma_wait3A_67 : memref<1x128xi32, #tpu.memory_space<vmem>> -> memref<128xi32, #tpu.memory_space<vmem>>
    %dma_wait3A_69 = arith.constant 0 : i32
    %dma_wait3A_70 = tpu.memref_slice %arg7[%dma_wait3A_65, %dma_wait3A_69] : memref<5x128xi32, #tpu.memory_space<vmem>> -> memref<1x128xi32, #tpu.memory_space<vmem>>
    %dma_wait3A_71 = tpu.memref_squeeze %dma_wait3A_70 : memref<1x128xi32, #tpu.memory_space<vmem>> -> memref<128xi32, #tpu.memory_space<vmem>>
    %dma_wait3A_72 = arith.constant 0 : i32
    %dma_wait3A_73 = tpu.memref_slice %arg12[%dma_wait3A_72] : memref<10240xi32, #tpu.memory_space<vmem_shared>> -> memref<10240xi32, #tpu.memory_space<vmem_shared>>
    tpu.wait_indirect_dma semaphore(%arg13 : memref<!tpu.dma_semaphore, #tpu.memory_space<semaphore_mem>>) src(%dma_wait3A_68 : memref<128xi32, #tpu.memory_space<vmem>>) dst(%dma_wait3A_73 : memref<10240xi32, #tpu.memory_space<vmem_shared>>)
    %dma_wait3A_74 = arith.constant 2 : i32
    %dma_wait3A_75 = arith.constant 2 : i32
    %dma_wait3A_76 = arith.constant 0 : i32
    %dma_wait3A_77 = tpu.memref_slice %arg8[%dma_wait3A_74, %dma_wait3A_76] : memref<5x128xi32, #tpu.memory_space<vmem>> -> memref<1x128xi32, #tpu.memory_space<vmem>>
    %dma_wait3A_78 = tpu.memref_squeeze %dma_wait3A_77 : memref<1x128xi32, #tpu.memory_space<vmem>> -> memref<128xi32, #tpu.memory_space<vmem>>
    %dma_wait3A_79 = arith.constant 0 : i32
    %dma_wait3A_80 = tpu.memref_slice %arg7[%dma_wait3A_75, %dma_wait3A_79] : memref<5x128xi32, #tpu.memory_space<vmem>> -> memref<1x128xi32, #tpu.memory_space<vmem>>
    %dma_wait3A_81 = tpu.memref_squeeze %dma_wait3A_80 : memref<1x128xi32, #tpu.memory_space<vmem>> -> memref<128xi32, #tpu.memory_space<vmem>>
    %dma_wait3A_82 = arith.constant 0 : i32
    %dma_wait3A_83 = tpu.memref_slice %arg12[%dma_wait3A_82] : memref<10240xi32, #tpu.memory_space<vmem_shared>> -> memref<10240xi32, #tpu.memory_space<vmem_shared>>
    tpu.wait_indirect_dma semaphore(%arg13 : memref<!tpu.dma_semaphore, #tpu.memory_space<semaphore_mem>>) src(%dma_wait3A_78 : memref<128xi32, #tpu.memory_space<vmem>>) dst(%dma_wait3A_83 : memref<10240xi32, #tpu.memory_space<vmem_shared>>)
    %dma_wait3A_84 = arith.constant 3 : i32
    %dma_wait3A_85 = arith.constant 3 : i32
    %dma_wait3A_86 = arith.constant 0 : i32
    %dma_wait3A_87 = tpu.memref_slice %arg8[%dma_wait3A_84, %dma_wait3A_86] : memref<5x128xi32, #tpu.memory_space<vmem>> -> memref<1x128xi32, #tpu.memory_space<vmem>>
    %dma_wait3A_88 = tpu.memref_squeeze %dma_wait3A_87 : memref<1x128xi32, #tpu.memory_space<vmem>> -> memref<128xi32, #tpu.memory_space<vmem>>
    %dma_wait3A_89 = arith.constant 0 : i32
    %dma_wait3A_90 = tpu.memref_slice %arg7[%dma_wait3A_85, %dma_wait3A_89] : memref<5x128xi32, #tpu.memory_space<vmem>> -> memref<1x128xi32, #tpu.memory_space<vmem>>
    %dma_wait3A_91 = tpu.memref_squeeze %dma_wait3A_90 : memref<1x128xi32, #tpu.memory_space<vmem>> -> memref<128xi32, #tpu.memory_space<vmem>>
    %dma_wait3A_92 = arith.constant 0 : i32
    %dma_wait3A_93 = tpu.memref_slice %arg12[%dma_wait3A_92] : memref<10240xi32, #tpu.memory_space<vmem_shared>> -> memref<10240xi32, #tpu.memory_space<vmem_shared>>
    tpu.wait_indirect_dma semaphore(%arg13 : memref<!tpu.dma_semaphore, #tpu.memory_space<semaphore_mem>>) src(%dma_wait3A_88 : memref<128xi32, #tpu.memory_space<vmem>>) dst(%dma_wait3A_93 : memref<10240xi32, #tpu.memory_space<vmem_shared>>)
    %dma_wait3A_94 = arith.constant 4 : i32
    %dma_wait3A_95 = arith.constant 4 : i32
    %dma_wait3A_96 = arith.constant 0 : i32
    %dma_wait3A_97 = tpu.memref_slice %arg8[%dma_wait3A_94, %dma_wait3A_96] : memref<5x128xi32, #tpu.memory_space<vmem>> -> memref<1x128xi32, #tpu.memory_space<vmem>>
    %dma_wait3A_98 = tpu.memref_squeeze %dma_wait3A_97 : memref<1x128xi32, #tpu.memory_space<vmem>> -> memref<128xi32, #tpu.memory_space<vmem>>
    %dma_wait3A_99 = arith.constant 0 : i32
    %dma_wait3A_100 = tpu.memref_slice %arg7[%dma_wait3A_95, %dma_wait3A_99] : memref<5x128xi32, #tpu.memory_space<vmem>> -> memref<1x128xi32, #tpu.memory_space<vmem>>
    %dma_wait3A_101 = tpu.memref_squeeze %dma_wait3A_100 : memref<1x128xi32, #tpu.memory_space<vmem>> -> memref<128xi32, #tpu.memory_space<vmem>>
    %dma_wait3A_102 = arith.constant 0 : i32
    %dma_wait3A_103 = tpu.memref_slice %arg12[%dma_wait3A_102] : memref<10240xi32, #tpu.memory_space<vmem_shared>> -> memref<10240xi32, #tpu.memory_space<vmem_shared>>
    tpu.wait_indirect_dma semaphore(%arg13 : memref<!tpu.dma_semaphore, #tpu.memory_space<semaphore_mem>>) src(%dma_wait3A_98 : memref<128xi32, #tpu.memory_space<vmem>>) dst(%dma_wait3A_103 : memref<10240xi32, #tpu.memory_space<vmem_shared>>)
    %barrier3A = arith.constant 0 : index
    tpu.barrier barrier_id(%barrier3A)
    "tpu.region"() ({
      %run_scoped3A = tpu.sem_alloc : memref<!tpu.dma_semaphore, #tpu.memory_space<semaphore_mem>>
      %dma_start3A_217 = tpu.memref_slice %arg12[%mul3A_0] : memref<10240xi32, #tpu.memory_space<vmem_shared>> -> memref<640xi32, #tpu.memory_space<vmem_shared>>
      %dma_start3A_218 = tpu.memref_slice %arg12[%mul3A_0] : memref<10240xi32, #tpu.memory_space<vmem_shared>> -> memref<640xi32, #tpu.memory_space<vmem_shared>>
      tpu.enqueue_dma source(%dma_start3A_218 : memref<640xi32, #tpu.memory_space<vmem_shared>>) target(%arg9 : memref<640xi32, #tpu.memory_space<vmem>>) target_semaphore(%run_scoped3A : memref<!tpu.dma_semaphore, #tpu.memory_space<semaphore_mem>>)
      %dma_wait3A_219 = tpu.memref_slice %arg12[%mul3A_0] : memref<10240xi32, #tpu.memory_space<vmem_shared>> -> memref<640xi32, #tpu.memory_space<vmem_shared>>
      %dma_wait3A_220 = tpu.memref_slice %arg12[%mul3A_0] : memref<10240xi32, #tpu.memory_space<vmem_shared>> -> memref<640xi32, #tpu.memory_space<vmem_shared>>
      tpu.wait_dma2 semaphore(%run_scoped3A : memref<!tpu.dma_semaphore, #tpu.memory_space<semaphore_mem>>) src(%dma_wait3A_220 : memref<640xi32, #tpu.memory_space<vmem_shared>>) dst(%arg9 : memref<640xi32, #tpu.memory_space<vmem>>)
      tpu.yield
    }) : () -> ()
    "tpu.region"() ({
      %run_scoped3A = tpu.sem_alloc : memref<!tpu.dma_semaphore, #tpu.memory_space<semaphore_mem>>
      %dma_start3A_217 = tpu.memref_slice %arg4[%mul3A_0] : memref<10240xi32, #tpu.memory_space<hbm>> -> memref<640xi32, #tpu.memory_space<hbm>>
      %dma_start3A_218 = tpu.memref_slice %arg4[%mul3A_0] : memref<10240xi32, #tpu.memory_space<hbm>> -> memref<640xi32, #tpu.memory_space<hbm>>
      tpu.enqueue_dma source(%arg9 : memref<640xi32, #tpu.memory_space<vmem>>) target(%dma_start3A_218 : memref<640xi32, #tpu.memory_space<hbm>>) target_semaphore(%run_scoped3A : memref<!tpu.dma_semaphore, #tpu.memory_space<semaphore_mem>>)
      %dma_wait3A_219 = tpu.memref_slice %arg4[%mul3A_0] : memref<10240xi32, #tpu.memory_space<hbm>> -> memref<640xi32, #tpu.memory_space<hbm>>
      %dma_wait3A_220 = tpu.memref_slice %arg4[%mul3A_0] : memref<10240xi32, #tpu.memory_space<hbm>> -> memref<640xi32, #tpu.memory_space<hbm>>
      tpu.wait_dma2 semaphore(%run_scoped3A : memref<!tpu.dma_semaphore, #tpu.memory_space<semaphore_mem>>) src(%arg9 : memref<640xi32, #tpu.memory_space<vmem>>) dst(%dma_wait3A_220 : memref<640xi32, #tpu.memory_space<hbm>>)
      tpu.yield
    }) : () -> ()
    %broadcast_in_dim3A = arith.constant 9999 : i32
    %broadcast_in_dim3A_104 = vector.broadcast %broadcast_in_dim3A : i32 to vector<16xi32>
    %scan3A_105 = arith.constant 0 : i32
    %scan3A_106 = arith.constant 0 : i32
    %scan3A_107 = arith.constant 40 : i32
    %scan3A_108 = arith.addi %scan3A_106, %scan3A_107 : i32
    %scan3A_109 = arith.constant 8 : i32
    scf.for %scan3A_217 = %scan3A_106 to %scan3A_108 step %scan3A_109  : i32 {
      %mul3A_218 = arith.constant 16 : i32
      %mul3A_219 = arith.muli %scan3A_217, %mul3A_218 : i32
      %get3A = arith.index_cast %mul3A_219 : i32 to index
      %get3A_220 = tpu.vector_load %arg9[%get3A] {strides = array<i32>} : memref<640xi32, #tpu.memory_space<vmem>>, vector<16xi32>,
      %min3A = arith.minsi %get3A_220, %broadcast_in_dim3A_104 : vector<16xi32>
      %shift_right_arithmetic3A = arith.constant 3 : i32
      %shift_right_arithmetic3A_221 = arith.shrsi %scan3A_217, %shift_right_arithmetic3A : i32
      %and3A = arith.constant 7 : i32
      %and3A_222 = arith.andi %scan3A_217, %and3A : i32
      %mul3A_223 = arith.constant 16 : i32
      %mul3A_224 = arith.muli %and3A_222, %mul3A_223 : i32
      %swap3A = arith.index_cast %shift_right_arithmetic3A_221 : i32 to index
      %swap3A_225 = arith.index_cast %mul3A_224 : i32 to index
      %swap3A_226 = tpu.vector_load %arg10[%swap3A, %swap3A_225] {strides = array<i32>} : memref<5x128xi32, #tpu.memory_space<vmem>>, vector<16xi32>,
      tpu.vector_store %arg10[%swap3A, %swap3A_225], %min3A {strides = array<i32>} : memref<5x128xi32, #tpu.memory_space<vmem>>, vector<16xi32>,
      %scan3A_227 = arith.constant 1 : i32
      %scan3A_228 = arith.addi %scan3A_217, %scan3A_227 : i32
      %mul3A_229 = arith.constant 16 : i32
      %mul3A_230 = arith.muli %scan3A_228, %mul3A_229 : i32
      %get3A_231 = arith.index_cast %mul3A_230 : i32 to index
      %get3A_232 = tpu.vector_load %arg9[%get3A_231] {strides = array<i32>} : memref<640xi32, #tpu.memory_space<vmem>>, vector<16xi32>,
      %min3A_233 = arith.minsi %get3A_232, %broadcast_in_dim3A_104 : vector<16xi32>
      %shift_right_arithmetic3A_234 = arith.constant 3 : i32
      %shift_right_arithmetic3A_235 = arith.shrsi %scan3A_228, %shift_right_arithmetic3A_234 : i32
      %and3A_236 = arith.constant 7 : i32
      %and3A_237 = arith.andi %scan3A_228, %and3A_236 : i32
      %mul3A_238 = arith.constant 16 : i32
      %mul3A_239 = arith.muli %and3A_237, %mul3A_238 : i32
      %swap3A_240 = arith.index_cast %shift_right_arithmetic3A_235 : i32 to index
      %swap3A_241 = arith.index_cast %mul3A_239 : i32 to index
      %swap3A_242 = tpu.vector_load %arg10[%swap3A_240, %swap3A_241] {strides = array<i32>} : memref<5x128xi32, #tpu.memory_space<vmem>>, vector<16xi32>,
      tpu.vector_store %arg10[%swap3A_240, %swap3A_241], %min3A_233 {strides = array<i32>} : memref<5x128xi32, #tpu.memory_space<vmem>>, vector<16xi32>,
      %scan3A_243 = arith.constant 2 : i32
      %scan3A_244 = arith.addi %scan3A_217, %scan3A_243 : i32
      %mul3A_245 = arith.constant 16 : i32
      %mul3A_246 = arith.muli %scan3A_244, %mul3A_245 : i32
      %get3A_247 = arith.index_cast %mul3A_246 : i32 to index
      %get3A_248 = tpu.vector_load %arg9[%get3A_247] {strides = array<i32>} : memref<640xi32, #tpu.memory_space<vmem>>, vector<16xi32>,
      %min3A_249 = arith.minsi %get3A_248, %broadcast_in_dim3A_104 : vector<16xi32>
      %shift_right_arithmetic3A_250 = arith.constant 3 : i32
      %shift_right_arithmetic3A_251 = arith.shrsi %scan3A_244, %shift_right_arithmetic3A_250 : i32
      %and3A_252 = arith.constant 7 : i32
      %and3A_253 = arith.andi %scan3A_244, %and3A_252 : i32
      %mul3A_254 = arith.constant 16 : i32
      %mul3A_255 = arith.muli %and3A_253, %mul3A_254 : i32
      %swap3A_256 = arith.index_cast %shift_right_arithmetic3A_251 : i32 to index
      %swap3A_257 = arith.index_cast %mul3A_255 : i32 to index
      %swap3A_258 = tpu.vector_load %arg10[%swap3A_256, %swap3A_257] {strides = array<i32>} : memref<5x128xi32, #tpu.memory_space<vmem>>, vector<16xi32>,
      tpu.vector_store %arg10[%swap3A_256, %swap3A_257], %min3A_249 {strides = array<i32>} : memref<5x128xi32, #tpu.memory_space<vmem>>, vector<16xi32>,
      %scan3A_259 = arith.constant 3 : i32
      %scan3A_260 = arith.addi %scan3A_217, %scan3A_259 : i32
      %mul3A_261 = arith.constant 16 : i32
      %mul3A_262 = arith.muli %scan3A_260, %mul3A_261 : i32
      %get3A_263 = arith.index_cast %mul3A_262 : i32 to index
      %get3A_264 = tpu.vector_load %arg9[%get3A_263] {strides = array<i32>} : memref<640xi32, #tpu.memory_space<vmem>>, vector<16xi32>,
      %min3A_265 = arith.minsi %get3A_264, %broadcast_in_dim3A_104 : vector<16xi32>
      %shift_right_arithmetic3A_266 = arith.constant 3 : i32
      %shift_right_arithmetic3A_267 = arith.shrsi %scan3A_260, %shift_right_arithmetic3A_266 : i32
      %and3A_268 = arith.constant 7 : i32
      %and3A_269 = arith.andi %scan3A_260, %and3A_268 : i32
      %mul3A_270 = arith.constant 16 : i32
      %mul3A_271 = arith.muli %and3A_269, %mul3A_270 : i32
      %swap3A_272 = arith.index_cast %shift_right_arithmetic3A_267 : i32 to index
      %swap3A_273 = arith.index_cast %mul3A_271 : i32 to index
      %swap3A_274 = tpu.vector_load %arg10[%swap3A_272, %swap3A_273] {strides = array<i32>} : memref<5x128xi32, #tpu.memory_space<vmem>>, vector<16xi32>,
      tpu.vector_store %arg10[%swap3A_272, %swap3A_273], %min3A_265 {strides = array<i32>} : memref<5x128xi32, #tpu.memory_space<vmem>>, vector<16xi32>,
      %scan3A_275 = arith.constant 4 : i32
      %scan3A_276 = arith.addi %scan3A_217, %scan3A_275 : i32
      %mul3A_277 = arith.constant 16 : i32
      %mul3A_278 = arith.muli %scan3A_276, %mul3A_277 : i32
      %get3A_279 = arith.index_cast %mul3A_278 : i32 to index
      %get3A_280 = tpu.vector_load %arg9[%get3A_279] {strides = array<i32>} : memref<640xi32, #tpu.memory_space<vmem>>, vector<16xi32>,
      %min3A_281 = arith.minsi %get3A_280, %broadcast_in_dim3A_104 : vector<16xi32>
      %shift_right_arithmetic3A_282 = arith.constant 3 : i32
      %shift_right_arithmetic3A_283 = arith.shrsi %scan3A_276, %shift_right_arithmetic3A_282 : i32
      %and3A_284 = arith.constant 7 : i32
      %and3A_285 = arith.andi %scan3A_276, %and3A_284 : i32
      %mul3A_286 = arith.constant 16 : i32
      %mul3A_287 = arith.muli %and3A_285, %mul3A_286 : i32
      %swap3A_288 = arith.index_cast %shift_right_arithmetic3A_283 : i32 to index
      %swap3A_289 = arith.index_cast %mul3A_287 : i32 to index
      %swap3A_290 = tpu.vector_load %arg10[%swap3A_288, %swap3A_289] {strides = array<i32>} : memref<5x128xi32, #tpu.memory_space<vmem>>, vector<16xi32>,
      tpu.vector_store %arg10[%swap3A_288, %swap3A_289], %min3A_281 {strides = array<i32>} : memref<5x128xi32, #tpu.memory_space<vmem>>, vector<16xi32>,
      %scan3A_291 = arith.constant 5 : i32
      %scan3A_292 = arith.addi %scan3A_217, %scan3A_291 : i32
      %mul3A_293 = arith.constant 16 : i32
      %mul3A_294 = arith.muli %scan3A_292, %mul3A_293 : i32
      %get3A_295 = arith.index_cast %mul3A_294 : i32 to index
      %get3A_296 = tpu.vector_load %arg9[%get3A_295] {strides = array<i32>} : memref<640xi32, #tpu.memory_space<vmem>>, vector<16xi32>,
      %min3A_297 = arith.minsi %get3A_296, %broadcast_in_dim3A_104 : vector<16xi32>
      %shift_right_arithmetic3A_298 = arith.constant 3 : i32
      %shift_right_arithmetic3A_299 = arith.shrsi %scan3A_292, %shift_right_arithmetic3A_298 : i32
      %and3A_300 = arith.constant 7 : i32
      %and3A_301 = arith.andi %scan3A_292, %and3A_300 : i32
      %mul3A_302 = arith.constant 16 : i32
      %mul3A_303 = arith.muli %and3A_301, %mul3A_302 : i32
      %swap3A_304 = arith.index_cast %shift_right_arithmetic3A_299 : i32 to index
      %swap3A_305 = arith.index_cast %mul3A_303 : i32 to index
      %swap3A_306 = tpu.vector_load %arg10[%swap3A_304, %swap3A_305] {strides = array<i32>} : memref<5x128xi32, #tpu.memory_space<vmem>>, vector<16xi32>,
      tpu.vector_store %arg10[%swap3A_304, %swap3A_305], %min3A_297 {strides = array<i32>} : memref<5x128xi32, #tpu.memory_space<vmem>>, vector<16xi32>,
      %scan3A_307 = arith.constant 6 : i32
      %scan3A_308 = arith.addi %scan3A_217, %scan3A_307 : i32
      %mul3A_309 = arith.constant 16 : i32
      %mul3A_310 = arith.muli %scan3A_308, %mul3A_309 : i32
      %get3A_311 = arith.index_cast %mul3A_310 : i32 to index
      %get3A_312 = tpu.vector_load %arg9[%get3A_311] {strides = array<i32>} : memref<640xi32, #tpu.memory_space<vmem>>, vector<16xi32>,
      %min3A_313 = arith.minsi %get3A_312, %broadcast_in_dim3A_104 : vector<16xi32>
      %shift_right_arithmetic3A_314 = arith.constant 3 : i32
      %shift_right_arithmetic3A_315 = arith.shrsi %scan3A_308, %shift_right_arithmetic3A_314 : i32
      %and3A_316 = arith.constant 7 : i32
      %and3A_317 = arith.andi %scan3A_308, %and3A_316 : i32
      %mul3A_318 = arith.constant 16 : i32
      %mul3A_319 = arith.muli %and3A_317, %mul3A_318 : i32
      %swap3A_320 = arith.index_cast %shift_right_arithmetic3A_315 : i32 to index
      %swap3A_321 = arith.index_cast %mul3A_319 : i32 to index
      %swap3A_322 = tpu.vector_load %arg10[%swap3A_320, %swap3A_321] {strides = array<i32>} : memref<5x128xi32, #tpu.memory_space<vmem>>, vector<16xi32>,
      tpu.vector_store %arg10[%swap3A_320, %swap3A_321], %min3A_313 {strides = array<i32>} : memref<5x128xi32, #tpu.memory_space<vmem>>, vector<16xi32>,
      %scan3A_323 = arith.constant 7 : i32
      %scan3A_324 = arith.addi %scan3A_217, %scan3A_323 : i32
      %mul3A_325 = arith.constant 16 : i32
      %mul3A_326 = arith.muli %scan3A_324, %mul3A_325 : i32
      %get3A_327 = arith.index_cast %mul3A_326 : i32 to index
      %get3A_328 = tpu.vector_load %arg9[%get3A_327] {strides = array<i32>} : memref<640xi32, #tpu.memory_space<vmem>>, vector<16xi32>,
      %min3A_329 = arith.minsi %get3A_328, %broadcast_in_dim3A_104 : vector<16xi32>
      %shift_right_arithmetic3A_330 = arith.constant 3 : i32
      %shift_right_arithmetic3A_331 = arith.shrsi %scan3A_324, %shift_right_arithmetic3A_330 : i32
      %and3A_332 = arith.constant 7 : i32
      %and3A_333 = arith.andi %scan3A_324, %and3A_332 : i32
      %mul3A_334 = arith.constant 16 : i32
      %mul3A_335 = arith.muli %and3A_333, %mul3A_334 : i32
      %swap3A_336 = arith.index_cast %shift_right_arithmetic3A_331 : i32 to index
      %swap3A_337 = arith.index_cast %mul3A_335 : i32 to index
      %swap3A_338 = tpu.vector_load %arg10[%swap3A_336, %swap3A_337] {strides = array<i32>} : memref<5x128xi32, #tpu.memory_space<vmem>>, vector<16xi32>,
      tpu.vector_store %arg10[%swap3A_336, %swap3A_337], %min3A_329 {strides = array<i32>} : memref<5x128xi32, #tpu.memory_space<vmem>>, vector<16xi32>,
    }
    %scan3A_110 = arith.constant 40 : i32
    %dma_start3A_111 = arith.constant 0 : i32
    %dma_start3A_112 = arith.constant 0 : i32
    %dma_start3A_113 = arith.constant 0 : i32
    %dma_start3A_114 = tpu.memref_slice %arg11[%dma_start3A_112, %dma_start3A_113] : memref<640x128xf32, #tpu.memory_space<vmem>> -> memref<128x128xf32, #tpu.memory_space<vmem>>
    %dma_start3A_115 = arith.constant 0 : i32
    %dma_start3A_116 = tpu.memref_slice %arg10[%dma_start3A_111, %dma_start3A_115] : memref<5x128xi32, #tpu.memory_space<vmem>> -> memref<1x128xi32, #tpu.memory_space<vmem>>
    %dma_start3A_117 = tpu.memref_squeeze %dma_start3A_116 : memref<1x128xi32, #tpu.memory_space<vmem>> -> memref<128xi32, #tpu.memory_space<vmem>>
    %dma_start3A_118 = arith.constant 0 : i32
    %dma_start3A_119 = arith.constant 0 : i32
    %dma_start3A_120 = tpu.memref_slice %arg3[%dma_start3A_118, %dma_start3A_119] : memref<10000x128xf32, #tpu.memory_space<hbm>> -> memref<10000x128xf32, #tpu.memory_space<hbm>>
    tpu.enqueue_indirect_dma source(%dma_start3A_120 : memref<10000x128xf32, #tpu.memory_space<hbm>>) target(%dma_start3A_114 : memref<128x128xf32, #tpu.memory_space<vmem>>) offsets(%dma_start3A_117 : memref<128xi32, #tpu.memory_space<vmem>>) semaphore(%arg13 : memref<!tpu.dma_semaphore, #tpu.memory_space<semaphore_mem>>)
    %dma_start3A_121 = arith.constant 1 : i32
    %dma_start3A_122 = arith.constant 128 : i32
    %dma_start3A_123 = arith.constant 0 : i32
    %dma_start3A_124 = tpu.memref_slice %arg11[%dma_start3A_122, %dma_start3A_123] : memref<640x128xf32, #tpu.memory_space<vmem>> -> memref<128x128xf32, #tpu.memory_space<vmem>>
    %dma_start3A_125 = arith.constant 0 : i32
    %dma_start3A_126 = tpu.memref_slice %arg10[%dma_start3A_121, %dma_start3A_125] : memref<5x128xi32, #tpu.memory_space<vmem>> -> memref<1x128xi32, #tpu.memory_space<vmem>>
    %dma_start3A_127 = tpu.memref_squeeze %dma_start3A_126 : memref<1x128xi32, #tpu.memory_space<vmem>> -> memref<128xi32, #tpu.memory_space<vmem>>
    %dma_start3A_128 = arith.constant 0 : i32
    %dma_start3A_129 = arith.constant 0 : i32
    %dma_start3A_130 = tpu.memref_slice %arg3[%dma_start3A_128, %dma_start3A_129] : memref<10000x128xf32, #tpu.memory_space<hbm>> -> memref<10000x128xf32, #tpu.memory_space<hbm>>
    tpu.enqueue_indirect_dma source(%dma_start3A_130 : memref<10000x128xf32, #tpu.memory_space<hbm>>) target(%dma_start3A_124 : memref<128x128xf32, #tpu.memory_space<vmem>>) offsets(%dma_start3A_127 : memref<128xi32, #tpu.memory_space<vmem>>) semaphore(%arg13 : memref<!tpu.dma_semaphore, #tpu.memory_space<semaphore_mem>>)
    %dma_start3A_131 = arith.constant 2 : i32
    %dma_start3A_132 = arith.constant 256 : i32
    %dma_start3A_133 = arith.constant 0 : i32
    %dma_start3A_134 = tpu.memref_slice %arg11[%dma_start3A_132, %dma_start3A_133] : memref<640x128xf32, #tpu.memory_space<vmem>> -> memref<128x128xf32, #tpu.memory_space<vmem>>
    %dma_start3A_135 = arith.constant 0 : i32
    %dma_start3A_136 = tpu.memref_slice %arg10[%dma_start3A_131, %dma_start3A_135] : memref<5x128xi32, #tpu.memory_space<vmem>> -> memref<1x128xi32, #tpu.memory_space<vmem>>
    %dma_start3A_137 = tpu.memref_squeeze %dma_start3A_136 : memref<1x128xi32, #tpu.memory_space<vmem>> -> memref<128xi32, #tpu.memory_space<vmem>>
    %dma_start3A_138 = arith.constant 0 : i32
    %dma_start3A_139 = arith.constant 0 : i32
    %dma_start3A_140 = tpu.memref_slice %arg3[%dma_start3A_138, %dma_start3A_139] : memref<10000x128xf32, #tpu.memory_space<hbm>> -> memref<10000x128xf32, #tpu.memory_space<hbm>>
    tpu.enqueue_indirect_dma source(%dma_start3A_140 : memref<10000x128xf32, #tpu.memory_space<hbm>>) target(%dma_start3A_134 : memref<128x128xf32, #tpu.memory_space<vmem>>) offsets(%dma_start3A_137 : memref<128xi32, #tpu.memory_space<vmem>>) semaphore(%arg13 : memref<!tpu.dma_semaphore, #tpu.memory_space<semaphore_mem>>)
    %dma_start3A_141 = arith.constant 3 : i32
    %dma_start3A_142 = arith.constant 384 : i32
    %dma_start3A_143 = arith.constant 0 : i32
    %dma_start3A_144 = tpu.memref_slice %arg11[%dma_start3A_142, %dma_start3A_143] : memref<640x128xf32, #tpu.memory_space<vmem>> -> memref<128x128xf32, #tpu.memory_space<vmem>>
    %dma_start3A_145 = arith.constant 0 : i32
    %dma_start3A_146 = tpu.memref_slice %arg10[%dma_start3A_141, %dma_start3A_145] : memref<5x128xi32, #tpu.memory_space<vmem>> -> memref<1x128xi32, #tpu.memory_space<vmem>>
    %dma_start3A_147 = tpu.memref_squeeze %dma_start3A_146 : memref<1x128xi32, #tpu.memory_space<vmem>> -> memref<128xi32, #tpu.memory_space<vmem>>
    %dma_start3A_148 = arith.constant 0 : i32
    %dma_start3A_149 = arith.constant 0 : i32
    %dma_start3A_150 = tpu.memref_slice %arg3[%dma_start3A_148, %dma_start3A_149] : memref<10000x128xf32, #tpu.memory_space<hbm>> -> memref<10000x128xf32, #tpu.memory_space<hbm>>
    tpu.enqueue_indirect_dma source(%dma_start3A_150 : memref<10000x128xf32, #tpu.memory_space<hbm>>) target(%dma_start3A_144 : memref<128x128xf32, #tpu.memory_space<vmem>>) offsets(%dma_start3A_147 : memref<128xi32, #tpu.memory_space<vmem>>) semaphore(%arg13 : memref<!tpu.dma_semaphore, #tpu.memory_space<semaphore_mem>>)
    %dma_start3A_151 = arith.constant 4 : i32
    %dma_start3A_152 = arith.constant 512 : i32
    %dma_start3A_153 = arith.constant 0 : i32
    %dma_start3A_154 = tpu.memref_slice %arg11[%dma_start3A_152, %dma_start3A_153] : memref<640x128xf32, #tpu.memory_space<vmem>> -> memref<128x128xf32, #tpu.memory_space<vmem>>
    %dma_start3A_155 = arith.constant 0 : i32
    %dma_start3A_156 = tpu.memref_slice %arg10[%dma_start3A_151, %dma_start3A_155] : memref<5x128xi32, #tpu.memory_space<vmem>> -> memref<1x128xi32, #tpu.memory_space<vmem>>
    %dma_start3A_157 = tpu.memref_squeeze %dma_start3A_156 : memref<1x128xi32, #tpu.memory_space<vmem>> -> memref<128xi32, #tpu.memory_space<vmem>>
    %dma_start3A_158 = arith.constant 0 : i32
    %dma_start3A_159 = arith.constant 0 : i32
    %dma_start3A_160 = tpu.memref_slice %arg3[%dma_start3A_158, %dma_start3A_159] : memref<10000x128xf32, #tpu.memory_space<hbm>> -> memref<10000x128xf32, #tpu.memory_space<hbm>>
    tpu.enqueue_indirect_dma source(%dma_start3A_160 : memref<10000x128xf32, #tpu.memory_space<hbm>>) target(%dma_start3A_154 : memref<128x128xf32, #tpu.memory_space<vmem>>) offsets(%dma_start3A_157 : memref<128xi32, #tpu.memory_space<vmem>>) semaphore(%arg13 : memref<!tpu.dma_semaphore, #tpu.memory_space<semaphore_mem>>)
    %dma_wait3A_161 = arith.constant 0 : i32
    %dma_wait3A_162 = arith.constant 0 : i32
    %dma_wait3A_163 = arith.constant 0 : i32
    %dma_wait3A_164 = tpu.memref_slice %arg11[%dma_wait3A_162, %dma_wait3A_163] : memref<640x128xf32, #tpu.memory_space<vmem>> -> memref<128x128xf32, #tpu.memory_space<vmem>>
    %dma_wait3A_165 = arith.constant 0 : i32
    %dma_wait3A_166 = tpu.memref_slice %arg10[%dma_wait3A_161, %dma_wait3A_165] : memref<5x128xi32, #tpu.memory_space<vmem>> -> memref<1x128xi32, #tpu.memory_space<vmem>>
    %dma_wait3A_167 = tpu.memref_squeeze %dma_wait3A_166 : memref<1x128xi32, #tpu.memory_space<vmem>> -> memref<128xi32, #tpu.memory_space<vmem>>
    %dma_wait3A_168 = arith.constant 0 : i32
    %dma_wait3A_169 = arith.constant 0 : i32
    %dma_wait3A_170 = tpu.memref_slice %arg3[%dma_wait3A_168, %dma_wait3A_169] : memref<10000x128xf32, #tpu.memory_space<hbm>> -> memref<10000x128xf32, #tpu.memory_space<hbm>>
    tpu.wait_indirect_dma semaphore(%arg13 : memref<!tpu.dma_semaphore, #tpu.memory_space<semaphore_mem>>) src(%dma_wait3A_170 : memref<10000x128xf32, #tpu.memory_space<hbm>>) dst(%dma_wait3A_164 : memref<128x128xf32, #tpu.memory_space<vmem>>)
    %dma_wait3A_171 = arith.constant 1 : i32
    %dma_wait3A_172 = arith.constant 128 : i32
    %dma_wait3A_173 = arith.constant 0 : i32
    %dma_wait3A_174 = tpu.memref_slice %arg11[%dma_wait3A_172, %dma_wait3A_173] : memref<640x128xf32, #tpu.memory_space<vmem>> -> memref<128x128xf32, #tpu.memory_space<vmem>>
    %dma_wait3A_175 = arith.constant 0 : i32
    %dma_wait3A_176 = tpu.memref_slice %arg10[%dma_wait3A_171, %dma_wait3A_175] : memref<5x128xi32, #tpu.memory_space<vmem>> -> memref<1x128xi32, #tpu.memory_space<vmem>>
    %dma_wait3A_177 = tpu.memref_squeeze %dma_wait3A_176 : memref<1x128xi32, #tpu.memory_space<vmem>> -> memref<128xi32, #tpu.memory_space<vmem>>
    %dma_wait3A_178 = arith.constant 0 : i32
    %dma_wait3A_179 = arith.constant 0 : i32
    %dma_wait3A_180 = tpu.memref_slice %arg3[%dma_wait3A_178, %dma_wait3A_179] : memref<10000x128xf32, #tpu.memory_space<hbm>> -> memref<10000x128xf32, #tpu.memory_space<hbm>>
    tpu.wait_indirect_dma semaphore(%arg13 : memref<!tpu.dma_semaphore, #tpu.memory_space<semaphore_mem>>) src(%dma_wait3A_180 : memref<10000x128xf32, #tpu.memory_space<hbm>>) dst(%dma_wait3A_174 : memref<128x128xf32, #tpu.memory_space<vmem>>)
    %dma_wait3A_181 = arith.constant 2 : i32
    %dma_wait3A_182 = arith.constant 256 : i32
    %dma_wait3A_183 = arith.constant 0 : i32
    %dma_wait3A_184 = tpu.memref_slice %arg11[%dma_wait3A_182, %dma_wait3A_183] : memref<640x128xf32, #tpu.memory_space<vmem>> -> memref<128x128xf32, #tpu.memory_space<vmem>>
    %dma_wait3A_185 = arith.constant 0 : i32
    %dma_wait3A_186 = tpu.memref_slice %arg10[%dma_wait3A_181, %dma_wait3A_185] : memref<5x128xi32, #tpu.memory_space<vmem>> -> memref<1x128xi32, #tpu.memory_space<vmem>>
    %dma_wait3A_187 = tpu.memref_squeeze %dma_wait3A_186 : memref<1x128xi32, #tpu.memory_space<vmem>> -> memref<128xi32, #tpu.memory_space<vmem>>
    %dma_wait3A_188 = arith.constant 0 : i32
    %dma_wait3A_189 = arith.constant 0 : i32
    %dma_wait3A_190 = tpu.memref_slice %arg3[%dma_wait3A_188, %dma_wait3A_189] : memref<10000x128xf32, #tpu.memory_space<hbm>> -> memref<10000x128xf32, #tpu.memory_space<hbm>>
    tpu.wait_indirect_dma semaphore(%arg13 : memref<!tpu.dma_semaphore, #tpu.memory_space<semaphore_mem>>) src(%dma_wait3A_190 : memref<10000x128xf32, #tpu.memory_space<hbm>>) dst(%dma_wait3A_184 : memref<128x128xf32, #tpu.memory_space<vmem>>)
    %dma_wait3A_191 = arith.constant 3 : i32
    %dma_wait3A_192 = arith.constant 384 : i32
    %dma_wait3A_193 = arith.constant 0 : i32
    %dma_wait3A_194 = tpu.memref_slice %arg11[%dma_wait3A_192, %dma_wait3A_193] : memref<640x128xf32, #tpu.memory_space<vmem>> -> memref<128x128xf32, #tpu.memory_space<vmem>>
    %dma_wait3A_195 = arith.constant 0 : i32
    %dma_wait3A_196 = tpu.memref_slice %arg10[%dma_wait3A_191, %dma_wait3A_195] : memref<5x128xi32, #tpu.memory_space<vmem>> -> memref<1x128xi32, #tpu.memory_space<vmem>>
    %dma_wait3A_197 = tpu.memref_squeeze %dma_wait3A_196 : memref<1x128xi32, #tpu.memory_space<vmem>> -> memref<128xi32, #tpu.memory_space<vmem>>
    %dma_wait3A_198 = arith.constant 0 : i32
    %dma_wait3A_199 = arith.constant 0 : i32
    %dma_wait3A_200 = tpu.memref_slice %arg3[%dma_wait3A_198, %dma_wait3A_199] : memref<10000x128xf32, #tpu.memory_space<hbm>> -> memref<10000x128xf32, #tpu.memory_space<hbm>>
    tpu.wait_indirect_dma semaphore(%arg13 : memref<!tpu.dma_semaphore, #tpu.memory_space<semaphore_mem>>) src(%dma_wait3A_200 : memref<10000x128xf32, #tpu.memory_space<hbm>>) dst(%dma_wait3A_194 : memref<128x128xf32, #tpu.memory_space<vmem>>)
    %dma_wait3A_201 = arith.constant 4 : i32
    %dma_wait3A_202 = arith.constant 512 : i32
    %dma_wait3A_203 = arith.constant 0 : i32
    %dma_wait3A_204 = tpu.memref_slice %arg11[%dma_wait3A_202, %dma_wait3A_203] : memref<640x128xf32, #tpu.memory_space<vmem>> -> memref<128x128xf32, #tpu.memory_space<vmem>>
    %dma_wait3A_205 = arith.constant 0 : i32
    %dma_wait3A_206 = tpu.memref_slice %arg10[%dma_wait3A_201, %dma_wait3A_205] : memref<5x128xi32, #tpu.memory_space<vmem>> -> memref<1x128xi32, #tpu.memory_space<vmem>>
    %dma_wait3A_207 = tpu.memref_squeeze %dma_wait3A_206 : memref<1x128xi32, #tpu.memory_space<vmem>> -> memref<128xi32, #tpu.memory_space<vmem>>
    %dma_wait3A_208 = arith.constant 0 : i32
    %dma_wait3A_209 = arith.constant 0 : i32
    %dma_wait3A_210 = tpu.memref_slice %arg3[%dma_wait3A_208, %dma_wait3A_209] : memref<10000x128xf32, #tpu.memory_space<hbm>> -> memref<10000x128xf32, #tpu.memory_space<hbm>>
    tpu.wait_indirect_dma semaphore(%arg13 : memref<!tpu.dma_semaphore, #tpu.memory_space<semaphore_mem>>) src(%dma_wait3A_210 : memref<10000x128xf32, #tpu.memory_space<hbm>>) dst(%dma_wait3A_204 : memref<128x128xf32, #tpu.memory_space<vmem>>)
    %lt3A = arith.constant 15 : i32
    %lt3A_211 = arith.cmpi slt, %arg1, %lt3A : i32
    %convert_element_type3A = arith.extui %lt3A_211 : i1 to i32
    %cond3A = arith.constant 0 : i32
    %cond3A_212 = arith.cmpi ne, %convert_element_type3A, %cond3A : i32
    scf.if %cond3A_212 {
      "tpu.region"() ({
        %run_scoped3A = tpu.sem_alloc : memref<!tpu.dma_semaphore, #tpu.memory_space<semaphore_mem>>
        %dma_start3A_217 = arith.constant 0 : i32
        %dma_start3A_218 = tpu.memref_slice %arg5[%mul3A_0, %dma_start3A_217] : memref<10000x128xf32, #tpu.memory_space<hbm>> -> memref<640x128xf32, #tpu.memory_space<hbm>>
        %dma_start3A_219 = arith.constant 0 : i32
        %dma_start3A_220 = tpu.memref_slice %arg5[%mul3A_0, %dma_start3A_219] : memref<10000x128xf32, #tpu.memory_space<hbm>> -> memref<640x128xf32, #tpu.memory_space<hbm>>
        tpu.enqueue_dma source(%arg11 : memref<640x128xf32, #tpu.memory_space<vmem>>) target(%dma_start3A_220 : memref<640x128xf32, #tpu.memory_space<hbm>>) target_semaphore(%run_scoped3A : memref<!tpu.dma_semaphore, #tpu.memory_space<semaphore_mem>>)
        %dma_wait3A_221 = arith.constant 0 : i32
        %dma_wait3A_222 = tpu.memref_slice %arg5[%mul3A_0, %dma_wait3A_221] : memref<10000x128xf32, #tpu.memory_space<hbm>> -> memref<640x128xf32, #tpu.memory_space<hbm>>
        %dma_wait3A_223 = arith.constant 0 : i32
        %dma_wait3A_224 = tpu.memref_slice %arg5[%mul3A_0, %dma_wait3A_223] : memref<10000x128xf32, #tpu.memory_space<hbm>> -> memref<640x128xf32, #tpu.memory_space<hbm>>
        tpu.wait_dma2 semaphore(%run_scoped3A : memref<!tpu.dma_semaphore, #tpu.memory_space<semaphore_mem>>) src(%arg11 : memref<640x128xf32, #tpu.memory_space<vmem>>) dst(%dma_wait3A_224 : memref<640x128xf32, #tpu.memory_space<hbm>>)
        tpu.yield
      }) : () -> ()
    } else {
    }
    %eq3A = arith.constant 15 : i32
    %eq3A_213 = arith.cmpi eq, %arg1, %eq3A : i32
    %convert_element_type3A_214 = arith.extui %eq3A_213 : i1 to i32
    %cond3A_215 = arith.constant 0 : i32
    %cond3A_216 = arith.cmpi ne, %convert_element_type3A_214, %cond3A_215 : i32
    scf.if %cond3A_216 {
      "tpu.region"() ({
        %run_scoped3A = tpu.sem_alloc : memref<!tpu.dma_semaphore, #tpu.memory_space<semaphore_mem>>
        %dma_start3A_217 = arith.constant 0 : i32
        %dma_start3A_218 = arith.constant 0 : i32
        %dma_start3A_219 = tpu.memref_slice %arg11[%dma_start3A_217, %dma_start3A_218] : memref<640x128xf32, #tpu.memory_space<vmem>> -> memref<400x128xf32, #tpu.memory_space<vmem>>
        %dma_start3A_220 = arith.constant 0 : i32
        %dma_start3A_221 = tpu.memref_slice %arg5[%mul3A_0, %dma_start3A_220] : memref<10000x128xf32, #tpu.memory_space<hbm>> -> memref<400x128xf32, #tpu.memory_space<hbm>>
        %dma_start3A_222 = arith.constant 0 : i32
        %dma_start3A_223 = tpu.memref_slice %arg5[%mul3A_0, %dma_start3A_222] : memref<10000x128xf32, #tpu.memory_space<hbm>> -> memref<400x128xf32, #tpu.memory_space<hbm>>
        %dma_start3A_224 = arith.constant 0 : i32
        %dma_start3A_225 = arith.constant 0 : i32
        %dma_start3A_226 = tpu.memref_slice %arg11[%dma_start3A_224, %dma_start3A_225] : memref<640x128xf32, #tpu.memory_space<vmem>> -> memref<400x128xf32, #tpu.memory_space<vmem>>
        tpu.enqueue_dma source(%dma_start3A_226 : memref<400x128xf32, #tpu.memory_space<vmem>>) target(%dma_start3A_223 : memref<400x128xf32, #tpu.memory_space<hbm>>) target_semaphore(%run_scoped3A : memref<!tpu.dma_semaphore, #tpu.memory_space<semaphore_mem>>)
        %dma_wait3A_227 = arith.constant 0 : i32
        %dma_wait3A_228 = arith.constant 0 : i32
        %dma_wait3A_229 = tpu.memref_slice %arg11[%dma_wait3A_227, %dma_wait3A_228] : memref<640x128xf32, #tpu.memory_space<vmem>> -> memref<400x128xf32, #tpu.memory_space<vmem>>
        %dma_wait3A_230 = arith.constant 0 : i32
        %dma_wait3A_231 = tpu.memref_slice %arg5[%mul3A_0, %dma_wait3A_230] : memref<10000x128xf32, #tpu.memory_space<hbm>> -> memref<400x128xf32, #tpu.memory_space<hbm>>
        %dma_wait3A_232 = arith.constant 0 : i32
        %dma_wait3A_233 = tpu.memref_slice %arg5[%mul3A_0, %dma_wait3A_232] : memref<10000x128xf32, #tpu.memory_space<hbm>> -> memref<400x128xf32, #tpu.memory_space<hbm>>
        %dma_wait3A_234 = arith.constant 0 : i32
        %dma_wait3A_235 = arith.constant 0 : i32
        %dma_wait3A_236 = tpu.memref_slice %arg11[%dma_wait3A_234, %dma_wait3A_235] : memref<640x128xf32, #tpu.memory_space<vmem>> -> memref<400x128xf32, #tpu.memory_space<vmem>>
        tpu.wait_dma2 semaphore(%run_scoped3A : memref<!tpu.dma_semaphore, #tpu.memory_space<semaphore_mem>>) src(%dma_wait3A_236 : memref<400x128xf32, #tpu.memory_space<vmem>>) dst(%dma_wait3A_233 : memref<400x128xf32, #tpu.memory_space<hbm>>)
        tpu.yield
      }) : () -> ()
    } else {
    }
    return
  }
}

#map = affine_map<(d0, d1) -> (0)>
#map1 = affine_map<(d0, d1) -> (0, 0, 0)>
module attributes {stable_mosaic.version = 14 : i64} {
  func.func @_sc_hist_body(%arg0: i32, %arg1: i32, %arg2: memref<320000xi32, #tpu.memory_space<hbm>>, %arg3: memref<32x80x128xf32, #tpu.memory_space<hbm>>, %arg4: memref<10000xi32, #tpu.memory_space<vmem>>, %arg5: memref<80x128xf32, #tpu.memory_space<vmem>>) attributes {dimension_semantics = [#tpu.dimension_semantics<core_parallel>, #tpu.dimension_semantics<subcore_parallel>], iteration_bounds = array<i64: 2, 16>, scalar_prefetch = 0 : i64, scratch_operands = 2 : i64, tpu.core_type = #tpu.core_type<sc_vector_subcore>, window_params = [{transform_indices = #map}, {transform_indices = #map1}]} {
    %mul3A = arith.constant 2 : i32
    %mul3A_0 = arith.muli %arg1, %mul3A : i32
    %add3A = arith.addi %mul3A_0, %arg0 : i32
    %mul3A_1 = arith.constant 10000 : i32
    %mul3A_2 = arith.muli %add3A, %mul3A_1 : i32
    "tpu.region"() ({
      %run_scoped3A = tpu.sem_alloc : memref<!tpu.dma_semaphore, #tpu.memory_space<semaphore_mem>>
      %dma_start3A = tpu.memref_slice %arg2[%mul3A_2] : memref<320000xi32, #tpu.memory_space<hbm>> -> memref<10000xi32, #tpu.memory_space<hbm>>
      %dma_start3A_26 = tpu.memref_slice %arg2[%mul3A_2] : memref<320000xi32, #tpu.memory_space<hbm>> -> memref<10000xi32, #tpu.memory_space<hbm>>
      tpu.enqueue_dma source(%dma_start3A_26 : memref<10000xi32, #tpu.memory_space<hbm>>) target(%arg4 : memref<10000xi32, #tpu.memory_space<vmem>>) target_semaphore(%run_scoped3A : memref<!tpu.dma_semaphore, #tpu.memory_space<semaphore_mem>>)
      %dma_wait3A = tpu.memref_slice %arg2[%mul3A_2] : memref<320000xi32, #tpu.memory_space<hbm>> -> memref<10000xi32, #tpu.memory_space<hbm>>
      %dma_wait3A_27 = tpu.memref_slice %arg2[%mul3A_2] : memref<320000xi32, #tpu.memory_space<hbm>> -> memref<10000xi32, #tpu.memory_space<hbm>>
      tpu.wait_dma2 semaphore(%run_scoped3A : memref<!tpu.dma_semaphore, #tpu.memory_space<semaphore_mem>>) src(%dma_wait3A_27 : memref<10000xi32, #tpu.memory_space<hbm>>) dst(%arg4 : memref<10000xi32, #tpu.memory_space<vmem>>)
      tpu.yield
    }) : () -> ()
    %broadcast_in_dim3A = arith.constant 0.000000e+00 : f32
    %broadcast_in_dim3A_3 = vector.broadcast %broadcast_in_dim3A : f32 to vector<16xf32>
    %scan3A = arith.constant 0 : i32
    %scan3A_4 = arith.constant 0 : i32
    %scan3A_5 = arith.constant 640 : i32
    %scan3A_6 = arith.addi %scan3A_4, %scan3A_5 : i32
    %scan3A_7 = arith.constant 8 : i32
    scf.for %scan3A_26 = %scan3A_4 to %scan3A_6 step %scan3A_7  : i32 {
      %shift_right_arithmetic3A_27 = arith.constant 3 : i32
      %shift_right_arithmetic3A_28 = arith.shrsi %scan3A_26, %shift_right_arithmetic3A_27 : i32
      %and3A_29 = arith.constant 7 : i32
      %and3A_30 = arith.andi %scan3A_26, %and3A_29 : i32
      %mul3A_31 = arith.constant 16 : i32
      %mul3A_32 = arith.muli %and3A_30, %mul3A_31 : i32
      %swap3A = arith.index_cast %shift_right_arithmetic3A_28 : i32 to index
      %swap3A_33 = arith.index_cast %mul3A_32 : i32 to index
      %swap3A_34 = tpu.vector_load %arg5[%swap3A, %swap3A_33] {strides = array<i32>} : memref<80x128xf32, #tpu.memory_space<vmem>>, vector<16xf32>,
      tpu.vector_store %arg5[%swap3A, %swap3A_33], %broadcast_in_dim3A_3 {strides = array<i32>} : memref<80x128xf32, #tpu.memory_space<vmem>>, vector<16xf32>,
      %scan3A_35 = arith.constant 1 : i32
      %scan3A_36 = arith.addi %scan3A_26, %scan3A_35 : i32
      %shift_right_arithmetic3A_37 = arith.constant 3 : i32
      %shift_right_arithmetic3A_38 = arith.shrsi %scan3A_36, %shift_right_arithmetic3A_37 : i32
      %and3A_39 = arith.constant 7 : i32
      %and3A_40 = arith.andi %scan3A_36, %and3A_39 : i32
      %mul3A_41 = arith.constant 16 : i32
      %mul3A_42 = arith.muli %and3A_40, %mul3A_41 : i32
      %swap3A_43 = arith.index_cast %shift_right_arithmetic3A_38 : i32 to index
      %swap3A_44 = arith.index_cast %mul3A_42 : i32 to index
      %swap3A_45 = tpu.vector_load %arg5[%swap3A_43, %swap3A_44] {strides = array<i32>} : memref<80x128xf32, #tpu.memory_space<vmem>>, vector<16xf32>,
      tpu.vector_store %arg5[%swap3A_43, %swap3A_44], %broadcast_in_dim3A_3 {strides = array<i32>} : memref<80x128xf32, #tpu.memory_space<vmem>>, vector<16xf32>,
      %scan3A_46 = arith.constant 2 : i32
      %scan3A_47 = arith.addi %scan3A_26, %scan3A_46 : i32
      %shift_right_arithmetic3A_48 = arith.constant 3 : i32
      %shift_right_arithmetic3A_49 = arith.shrsi %scan3A_47, %shift_right_arithmetic3A_48 : i32
      %and3A_50 = arith.constant 7 : i32
      %and3A_51 = arith.andi %scan3A_47, %and3A_50 : i32
      %mul3A_52 = arith.constant 16 : i32
      %mul3A_53 = arith.muli %and3A_51, %mul3A_52 : i32
      %swap3A_54 = arith.index_cast %shift_right_arithmetic3A_49 : i32 to index
      %swap3A_55 = arith.index_cast %mul3A_53 : i32 to index
      %swap3A_56 = tpu.vector_load %arg5[%swap3A_54, %swap3A_55] {strides = array<i32>} : memref<80x128xf32, #tpu.memory_space<vmem>>, vector<16xf32>,
      tpu.vector_store %arg5[%swap3A_54, %swap3A_55], %broadcast_in_dim3A_3 {strides = array<i32>} : memref<80x128xf32, #tpu.memory_space<vmem>>, vector<16xf32>,
      %scan3A_57 = arith.constant 3 : i32
      %scan3A_58 = arith.addi %scan3A_26, %scan3A_57 : i32
      %shift_right_arithmetic3A_59 = arith.constant 3 : i32
      %shift_right_arithmetic3A_60 = arith.shrsi %scan3A_58, %shift_right_arithmetic3A_59 : i32
      %and3A_61 = arith.constant 7 : i32
      %and3A_62 = arith.andi %scan3A_58, %and3A_61 : i32
      %mul3A_63 = arith.constant 16 : i32
      %mul3A_64 = arith.muli %and3A_62, %mul3A_63 : i32
      %swap3A_65 = arith.index_cast %shift_right_arithmetic3A_60 : i32 to index
      %swap3A_66 = arith.index_cast %mul3A_64 : i32 to index
      %swap3A_67 = tpu.vector_load %arg5[%swap3A_65, %swap3A_66] {strides = array<i32>} : memref<80x128xf32, #tpu.memory_space<vmem>>, vector<16xf32>,
      tpu.vector_store %arg5[%swap3A_65, %swap3A_66], %broadcast_in_dim3A_3 {strides = array<i32>} : memref<80x128xf32, #tpu.memory_space<vmem>>, vector<16xf32>,
      %scan3A_68 = arith.constant 4 : i32
      %scan3A_69 = arith.addi %scan3A_26, %scan3A_68 : i32
      %shift_right_arithmetic3A_70 = arith.constant 3 : i32
      %shift_right_arithmetic3A_71 = arith.shrsi %scan3A_69, %shift_right_arithmetic3A_70 : i32
      %and3A_72 = arith.constant 7 : i32
      %and3A_73 = arith.andi %scan3A_69, %and3A_72 : i32
      %mul3A_74 = arith.constant 16 : i32
      %mul3A_75 = arith.muli %and3A_73, %mul3A_74 : i32
      %swap3A_76 = arith.index_cast %shift_right_arithmetic3A_71 : i32 to index
      %swap3A_77 = arith.index_cast %mul3A_75 : i32 to index
      %swap3A_78 = tpu.vector_load %arg5[%swap3A_76, %swap3A_77] {strides = array<i32>} : memref<80x128xf32, #tpu.memory_space<vmem>>, vector<16xf32>,
      tpu.vector_store %arg5[%swap3A_76, %swap3A_77], %broadcast_in_dim3A_3 {strides = array<i32>} : memref<80x128xf32, #tpu.memory_space<vmem>>, vector<16xf32>,
      %scan3A_79 = arith.constant 5 : i32
      %scan3A_80 = arith.addi %scan3A_26, %scan3A_79 : i32
      %shift_right_arithmetic3A_81 = arith.constant 3 : i32
      %shift_right_arithmetic3A_82 = arith.shrsi %scan3A_80, %shift_right_arithmetic3A_81 : i32
      %and3A_83 = arith.constant 7 : i32
      %and3A_84 = arith.andi %scan3A_80, %and3A_83 : i32
      %mul3A_85 = arith.constant 16 : i32
      %mul3A_86 = arith.muli %and3A_84, %mul3A_85 : i32
      %swap3A_87 = arith.index_cast %shift_right_arithmetic3A_82 : i32 to index
      %swap3A_88 = arith.index_cast %mul3A_86 : i32 to index
      %swap3A_89 = tpu.vector_load %arg5[%swap3A_87, %swap3A_88] {strides = array<i32>} : memref<80x128xf32, #tpu.memory_space<vmem>>, vector<16xf32>,
      tpu.vector_store %arg5[%swap3A_87, %swap3A_88], %broadcast_in_dim3A_3 {strides = array<i32>} : memref<80x128xf32, #tpu.memory_space<vmem>>, vector<16xf32>,
      %scan3A_90 = arith.constant 6 : i32
      %scan3A_91 = arith.addi %scan3A_26, %scan3A_90 : i32
      %shift_right_arithmetic3A_92 = arith.constant 3 : i32
      %shift_right_arithmetic3A_93 = arith.shrsi %scan3A_91, %shift_right_arithmetic3A_92 : i32
      %and3A_94 = arith.constant 7 : i32
      %and3A_95 = arith.andi %scan3A_91, %and3A_94 : i32
      %mul3A_96 = arith.constant 16 : i32
      %mul3A_97 = arith.muli %and3A_95, %mul3A_96 : i32
      %swap3A_98 = arith.index_cast %shift_right_arithmetic3A_93 : i32 to index
      %swap3A_99 = arith.index_cast %mul3A_97 : i32 to index
      %swap3A_100 = tpu.vector_load %arg5[%swap3A_98, %swap3A_99] {strides = array<i32>} : memref<80x128xf32, #tpu.memory_space<vmem>>, vector<16xf32>,
      tpu.vector_store %arg5[%swap3A_98, %swap3A_99], %broadcast_in_dim3A_3 {strides = array<i32>} : memref<80x128xf32, #tpu.memory_space<vmem>>, vector<16xf32>,
      %scan3A_101 = arith.constant 7 : i32
      %scan3A_102 = arith.addi %scan3A_26, %scan3A_101 : i32
      %shift_right_arithmetic3A_103 = arith.constant 3 : i32
      %shift_right_arithmetic3A_104 = arith.shrsi %scan3A_102, %shift_right_arithmetic3A_103 : i32
      %and3A_105 = arith.constant 7 : i32
      %and3A_106 = arith.andi %scan3A_102, %and3A_105 : i32
      %mul3A_107 = arith.constant 16 : i32
      %mul3A_108 = arith.muli %and3A_106, %mul3A_107 : i32
      %swap3A_109 = arith.index_cast %shift_right_arithmetic3A_104 : i32 to index
      %swap3A_110 = arith.index_cast %mul3A_108 : i32 to index
      %swap3A_111 = tpu.vector_load %arg5[%swap3A_109, %swap3A_110] {strides = array<i32>} : memref<80x128xf32, #tpu.memory_space<vmem>>, vector<16xf32>,
      tpu.vector_store %arg5[%swap3A_109, %swap3A_110], %broadcast_in_dim3A_3 {strides = array<i32>} : memref<80x128xf32, #tpu.memory_space<vmem>>, vector<16xf32>,
    }
    %scan3A_8 = arith.constant 640 : i32
    %broadcast_in_dim3A_9 = arith.constant 1.000000e+00 : f32
    %broadcast_in_dim3A_10 = vector.broadcast %broadcast_in_dim3A_9 : f32 to vector<16xf32>
    %scan3A_11 = arith.constant 0 : i32
    %scan3A_12 = arith.constant 0 : i32
    %scan3A_13 = arith.constant 624 : i32
    %scan3A_14 = arith.addi %scan3A_12, %scan3A_13 : i32
    %scan3A_15 = arith.constant 8 : i32
    scf.for %scan3A_26 = %scan3A_12 to %scan3A_14 step %scan3A_15  : i32 {
      %mul3A_27 = arith.constant 16 : i32
      %mul3A_28 = arith.muli %scan3A_26, %mul3A_27 : i32
      %get3A_29 = arith.index_cast %mul3A_28 : i32 to index
      %get3A_30 = tpu.vector_load %arg4[%get3A_29] {strides = array<i32>} : memref<10000xi32, #tpu.memory_space<vmem>>, vector<16xi32>,
      %shift_right_arithmetic3A_31 = arith.constant 7 : i32
      %shift_right_arithmetic3A_32 = vector.broadcast %shift_right_arithmetic3A_31 : i32 to vector<16xi32>
      %shift_right_arithmetic3A_33 = arith.shrsi %get3A_30, %shift_right_arithmetic3A_32 : vector<16xi32>
      %and3A_34 = arith.constant 127 : i32
      %and3A_35 = vector.broadcast %and3A_34 : i32 to vector<16xi32>
      %and3A_36 = arith.andi %get3A_30, %and3A_35 : vector<16xi32>
      tpu.vector_store_idx %arg5[%shift_right_arithmetic3A_33, %and3A_36], %broadcast_in_dim3A_10 {add = true} : memref<80x128xf32, #tpu.memory_space<vmem>>[vector<16xi32>, vector<16xi32>], vector<16xf32>,
      %scan3A_37 = arith.constant 1 : i32
      %scan3A_38 = arith.addi %scan3A_26, %scan3A_37 : i32
      %mul3A_39 = arith.constant 16 : i32
      %mul3A_40 = arith.muli %scan3A_38, %mul3A_39 : i32
      %get3A_41 = arith.index_cast %mul3A_40 : i32 to index
      %get3A_42 = tpu.vector_load %arg4[%get3A_41] {strides = array<i32>} : memref<10000xi32, #tpu.memory_space<vmem>>, vector<16xi32>,
      %shift_right_arithmetic3A_43 = arith.constant 7 : i32
      %shift_right_arithmetic3A_44 = vector.broadcast %shift_right_arithmetic3A_43 : i32 to vector<16xi32>
      %shift_right_arithmetic3A_45 = arith.shrsi %get3A_42, %shift_right_arithmetic3A_44 : vector<16xi32>
      %and3A_46 = arith.constant 127 : i32
      %and3A_47 = vector.broadcast %and3A_46 : i32 to vector<16xi32>
      %and3A_48 = arith.andi %get3A_42, %and3A_47 : vector<16xi32>
      tpu.vector_store_idx %arg5[%shift_right_arithmetic3A_45, %and3A_48], %broadcast_in_dim3A_10 {add = true} : memref<80x128xf32, #tpu.memory_space<vmem>>[vector<16xi32>, vector<16xi32>], vector<16xf32>,
      %scan3A_49 = arith.constant 2 : i32
      %scan3A_50 = arith.addi %scan3A_26, %scan3A_49 : i32
      %mul3A_51 = arith.constant 16 : i32
      %mul3A_52 = arith.muli %scan3A_50, %mul3A_51 : i32
      %get3A_53 = arith.index_cast %mul3A_52 : i32 to index
      %get3A_54 = tpu.vector_load %arg4[%get3A_53] {strides = array<i32>} : memref<10000xi32, #tpu.memory_space<vmem>>, vector<16xi32>,
      %shift_right_arithmetic3A_55 = arith.constant 7 : i32
      %shift_right_arithmetic3A_56 = vector.broadcast %shift_right_arithmetic3A_55 : i32 to vector<16xi32>
      %shift_right_arithmetic3A_57 = arith.shrsi %get3A_54, %shift_right_arithmetic3A_56 : vector<16xi32>
      %and3A_58 = arith.constant 127 : i32
      %and3A_59 = vector.broadcast %and3A_58 : i32 to vector<16xi32>
      %and3A_60 = arith.andi %get3A_54, %and3A_59 : vector<16xi32>
      tpu.vector_store_idx %arg5[%shift_right_arithmetic3A_57, %and3A_60], %broadcast_in_dim3A_10 {add = true} : memref<80x128xf32, #tpu.memory_space<vmem>>[vector<16xi32>, vector<16xi32>], vector<16xf32>,
      %scan3A_61 = arith.constant 3 : i32
      %scan3A_62 = arith.addi %scan3A_26, %scan3A_61 : i32
      %mul3A_63 = arith.constant 16 : i32
      %mul3A_64 = arith.muli %scan3A_62, %mul3A_63 : i32
      %get3A_65 = arith.index_cast %mul3A_64 : i32 to index
      %get3A_66 = tpu.vector_load %arg4[%get3A_65] {strides = array<i32>} : memref<10000xi32, #tpu.memory_space<vmem>>, vector<16xi32>,
      %shift_right_arithmetic3A_67 = arith.constant 7 : i32
      %shift_right_arithmetic3A_68 = vector.broadcast %shift_right_arithmetic3A_67 : i32 to vector<16xi32>
      %shift_right_arithmetic3A_69 = arith.shrsi %get3A_66, %shift_right_arithmetic3A_68 : vector<16xi32>
      %and3A_70 = arith.constant 127 : i32
      %and3A_71 = vector.broadcast %and3A_70 : i32 to vector<16xi32>
      %and3A_72 = arith.andi %get3A_66, %and3A_71 : vector<16xi32>
      tpu.vector_store_idx %arg5[%shift_right_arithmetic3A_69, %and3A_72], %broadcast_in_dim3A_10 {add = true} : memref<80x128xf32, #tpu.memory_space<vmem>>[vector<16xi32>, vector<16xi32>], vector<16xf32>,
      %scan3A_73 = arith.constant 4 : i32
      %scan3A_74 = arith.addi %scan3A_26, %scan3A_73 : i32
      %mul3A_75 = arith.constant 16 : i32
      %mul3A_76 = arith.muli %scan3A_74, %mul3A_75 : i32
      %get3A_77 = arith.index_cast %mul3A_76 : i32 to index
      %get3A_78 = tpu.vector_load %arg4[%get3A_77] {strides = array<i32>} : memref<10000xi32, #tpu.memory_space<vmem>>, vector<16xi32>,
      %shift_right_arithmetic3A_79 = arith.constant 7 : i32
      %shift_right_arithmetic3A_80 = vector.broadcast %shift_right_arithmetic3A_79 : i32 to vector<16xi32>
      %shift_right_arithmetic3A_81 = arith.shrsi %get3A_78, %shift_right_arithmetic3A_80 : vector<16xi32>
      %and3A_82 = arith.constant 127 : i32
      %and3A_83 = vector.broadcast %and3A_82 : i32 to vector<16xi32>
      %and3A_84 = arith.andi %get3A_78, %and3A_83 : vector<16xi32>
      tpu.vector_store_idx %arg5[%shift_right_arithmetic3A_81, %and3A_84], %broadcast_in_dim3A_10 {add = true} : memref<80x128xf32, #tpu.memory_space<vmem>>[vector<16xi32>, vector<16xi32>], vector<16xf32>,
      %scan3A_85 = arith.constant 5 : i32
      %scan3A_86 = arith.addi %scan3A_26, %scan3A_85 : i32
      %mul3A_87 = arith.constant 16 : i32
      %mul3A_88 = arith.muli %scan3A_86, %mul3A_87 : i32
      %get3A_89 = arith.index_cast %mul3A_88 : i32 to index
      %get3A_90 = tpu.vector_load %arg4[%get3A_89] {strides = array<i32>} : memref<10000xi32, #tpu.memory_space<vmem>>, vector<16xi32>,
      %shift_right_arithmetic3A_91 = arith.constant 7 : i32
      %shift_right_arithmetic3A_92 = vector.broadcast %shift_right_arithmetic3A_91 : i32 to vector<16xi32>
      %shift_right_arithmetic3A_93 = arith.shrsi %get3A_90, %shift_right_arithmetic3A_92 : vector<16xi32>
      %and3A_94 = arith.constant 127 : i32
      %and3A_95 = vector.broadcast %and3A_94 : i32 to vector<16xi32>
      %and3A_96 = arith.andi %get3A_90, %and3A_95 : vector<16xi32>
      tpu.vector_store_idx %arg5[%shift_right_arithmetic3A_93, %and3A_96], %broadcast_in_dim3A_10 {add = true} : memref<80x128xf32, #tpu.memory_space<vmem>>[vector<16xi32>, vector<16xi32>], vector<16xf32>,
      %scan3A_97 = arith.constant 6 : i32
      %scan3A_98 = arith.addi %scan3A_26, %scan3A_97 : i32
      %mul3A_99 = arith.constant 16 : i32
      %mul3A_100 = arith.muli %scan3A_98, %mul3A_99 : i32
      %get3A_101 = arith.index_cast %mul3A_100 : i32 to index
      %get3A_102 = tpu.vector_load %arg4[%get3A_101] {strides = array<i32>} : memref<10000xi32, #tpu.memory_space<vmem>>, vector<16xi32>,
      %shift_right_arithmetic3A_103 = arith.constant 7 : i32
      %shift_right_arithmetic3A_104 = vector.broadcast %shift_right_arithmetic3A_103 : i32 to vector<16xi32>
      %shift_right_arithmetic3A_105 = arith.shrsi %get3A_102, %shift_right_arithmetic3A_104 : vector<16xi32>
      %and3A_106 = arith.constant 127 : i32
      %and3A_107 = vector.broadcast %and3A_106 : i32 to vector<16xi32>
      %and3A_108 = arith.andi %get3A_102, %and3A_107 : vector<16xi32>
      tpu.vector_store_idx %arg5[%shift_right_arithmetic3A_105, %and3A_108], %broadcast_in_dim3A_10 {add = true} : memref<80x128xf32, #tpu.memory_space<vmem>>[vector<16xi32>, vector<16xi32>], vector<16xf32>,
      %scan3A_109 = arith.constant 7 : i32
      %scan3A_110 = arith.addi %scan3A_26, %scan3A_109 : i32
      %mul3A_111 = arith.constant 16 : i32
      %mul3A_112 = arith.muli %scan3A_110, %mul3A_111 : i32
      %get3A_113 = arith.index_cast %mul3A_112 : i32 to index
      %get3A_114 = tpu.vector_load %arg4[%get3A_113] {strides = array<i32>} : memref<10000xi32, #tpu.memory_space<vmem>>, vector<16xi32>,
      %shift_right_arithmetic3A_115 = arith.constant 7 : i32
      %shift_right_arithmetic3A_116 = vector.broadcast %shift_right_arithmetic3A_115 : i32 to vector<16xi32>
      %shift_right_arithmetic3A_117 = arith.shrsi %get3A_114, %shift_right_arithmetic3A_116 : vector<16xi32>
      %and3A_118 = arith.constant 127 : i32
      %and3A_119 = vector.broadcast %and3A_118 : i32 to vector<16xi32>
      %and3A_120 = arith.andi %get3A_114, %and3A_119 : vector<16xi32>
      tpu.vector_store_idx %arg5[%shift_right_arithmetic3A_117, %and3A_120], %broadcast_in_dim3A_10 {add = true} : memref<80x128xf32, #tpu.memory_space<vmem>>[vector<16xi32>, vector<16xi32>], vector<16xf32>,
    }
    %scan3A_16 = arith.constant 624 : i32
    %scan3A_17 = arith.addi %scan3A_12, %scan3A_16 : i32
    %mul3A_18 = arith.constant 16 : i32
    %mul3A_19 = arith.muli %scan3A_17, %mul3A_18 : i32
    %get3A = arith.index_cast %mul3A_19 : i32 to index
    %get3A_20 = tpu.vector_load %arg4[%get3A] {strides = array<i32>} : memref<10000xi32, #tpu.memory_space<vmem>>, vector<16xi32>,
    %shift_right_arithmetic3A = arith.constant 7 : i32
    %shift_right_arithmetic3A_21 = vector.broadcast %shift_right_arithmetic3A : i32 to vector<16xi32>
    %shift_right_arithmetic3A_22 = arith.shrsi %get3A_20, %shift_right_arithmetic3A_21 : vector<16xi32>
    %and3A = arith.constant 127 : i32
    %and3A_23 = vector.broadcast %and3A : i32 to vector<16xi32>
    %and3A_24 = arith.andi %get3A_20, %and3A_23 : vector<16xi32>
    tpu.vector_store_idx %arg5[%shift_right_arithmetic3A_22, %and3A_24], %broadcast_in_dim3A_10 {add = true} : memref<80x128xf32, #tpu.memory_space<vmem>>[vector<16xi32>, vector<16xi32>], vector<16xf32>,
    %scan3A_25 = arith.constant 625 : i32
    "tpu.region"() ({
      %run_scoped3A = tpu.sem_alloc : memref<!tpu.dma_semaphore, #tpu.memory_space<semaphore_mem>>
      %dma_start3A = arith.constant 0 : i32
      %dma_start3A_26 = arith.constant 0 : i32
      %dma_start3A_27 = tpu.memref_slice %arg3[%add3A, %dma_start3A, %dma_start3A_26] : memref<32x80x128xf32, #tpu.memory_space<hbm>> -> memref<1x80x128xf32, #tpu.memory_space<hbm>>
      %dma_start3A_28 = tpu.memref_squeeze %dma_start3A_27 : memref<1x80x128xf32, #tpu.memory_space<hbm>> -> memref<80x128xf32, #tpu.memory_space<hbm>>
      %dma_start3A_29 = arith.constant 0 : i32
      %dma_start3A_30 = arith.constant 0 : i32
      %dma_start3A_31 = tpu.memref_slice %arg3[%add3A, %dma_start3A_29, %dma_start3A_30] : memref<32x80x128xf32, #tpu.memory_space<hbm>> -> memref<1x80x128xf32, #tpu.memory_space<hbm>>
      %dma_start3A_32 = tpu.memref_squeeze %dma_start3A_31 : memref<1x80x128xf32, #tpu.memory_space<hbm>> -> memref<80x128xf32, #tpu.memory_space<hbm>>
      tpu.enqueue_dma source(%arg5 : memref<80x128xf32, #tpu.memory_space<vmem>>) target(%dma_start3A_32 : memref<80x128xf32, #tpu.memory_space<hbm>>) target_semaphore(%run_scoped3A : memref<!tpu.dma_semaphore, #tpu.memory_space<semaphore_mem>>)
      %dma_wait3A = arith.constant 0 : i32
      %dma_wait3A_33 = arith.constant 0 : i32
      %dma_wait3A_34 = tpu.memref_slice %arg3[%add3A, %dma_wait3A, %dma_wait3A_33] : memref<32x80x128xf32, #tpu.memory_space<hbm>> -> memref<1x80x128xf32, #tpu.memory_space<hbm>>
      %dma_wait3A_35 = tpu.memref_squeeze %dma_wait3A_34 : memref<1x80x128xf32, #tpu.memory_space<hbm>> -> memref<80x128xf32, #tpu.memory_space<hbm>>
      %dma_wait3A_36 = arith.constant 0 : i32
      %dma_wait3A_37 = arith.constant 0 : i32
      %dma_wait3A_38 = tpu.memref_slice %arg3[%add3A, %dma_wait3A_36, %dma_wait3A_37] : memref<32x80x128xf32, #tpu.memory_space<hbm>> -> memref<1x80x128xf32, #tpu.memory_space<hbm>>
      %dma_wait3A_39 = tpu.memref_squeeze %dma_wait3A_38 : memref<1x80x128xf32, #tpu.memory_space<hbm>> -> memref<80x128xf32, #tpu.memory_space<hbm>>
      tpu.wait_dma2 semaphore(%run_scoped3A : memref<!tpu.dma_semaphore, #tpu.memory_space<semaphore_mem>>) src(%arg5 : memref<80x128xf32, #tpu.memory_space<vmem>>) dst(%dma_wait3A_39 : memref<80x128xf32, #tpu.memory_space<hbm>>)
      tpu.yield
    }) : () -> ()
    return
  }
}

module attributes {stable_mosaic.version = 14 : i64} {
  func.func @_tc_keys_body(%arg0: memref<32x80x128xf32, #tpu.memory_space<vmem>>, %arg1: memref<80x128xf32, #tpu.memory_space<vmem>>, %arg2: memref<80x128xf32, #tpu.memory_space<vmem>>) attributes {dimension_semantics = [], scalar_prefetch = 0 : i64, scratch_operands = 0 : i64, tpu.core_type = #tpu.core_type<tc>} {
    %get3A = arith.constant 0 : index
    %get3A_0 = arith.constant 0 : index
    %get3A_1 = vector.load %arg1[%get3A, %get3A_0] : memref<80x128xf32, #tpu.memory_space<vmem>>, vector<80x128xf32>
    %get3A_2 = arith.constant 0 : index
    %get3A_3 = arith.constant 0 : index
    %get3A_4 = arith.constant 0 : index
    %get3A_5 = vector.load %arg0[%get3A_2, %get3A_3, %get3A_4] : memref<32x80x128xf32, #tpu.memory_space<vmem>>, vector<32x80x128xf32>
    %reduce_sum3A = arith.constant dense<0.000000e+00> : vector<80x128xf32>
    %reduce_sum3A_6 = vector.multi_reduction <add>, %get3A_5, %reduce_sum3A [0] : vector<32x80x128xf32> to vector<80x128xf32>
    %add3A = arith.addf %get3A_1, %reduce_sum3A_6 : vector<80x128xf32>
    %swap3A = arith.constant 0 : index
    %swap3A_7 = arith.constant 0 : index
    %swap3A_8 = vector.load %arg2[%swap3A, %swap3A_7] : memref<80x128xf32, #tpu.memory_space<vmem>>, vector<80x128xf32>
    tpu.vector_store %arg2[%swap3A, %swap3A_7], %add3A {strides = array<i32>} : memref<80x128xf32, #tpu.memory_space<vmem>>, vector<80x128xf32>,
    return
  }
}

module attributes {stable_mosaic.version = 14 : i64} {
  func.func @_tc_rank_body(%arg0: i32, %arg1: i32, %arg2: memref<1024x1xf32, #tpu.memory_space<vmem>>, %arg3: memref<1x1024xf32, #tpu.memory_space<vmem>>, %arg4: memref<1024x1xi32, #tpu.memory_space<vmem>>) attributes {dimension_semantics = [#tpu.dimension_semantics<arbitrary>, #tpu.dimension_semantics<arbitrary>], iteration_bounds = array<i64: 10, 10>, scalar_prefetch = 0 : i64, scratch_operands = 0 : i64, tpu.core_type = #tpu.core_type<tc>, window_params = [{transform_indices = @transform_0, window_bounds = array<i64: 1024, 1>}, {transform_indices = @transform_1, window_bounds = array<i64: 1, 1024>}, {transform_indices = @transform_2, window_bounds = array<i64: 1024, 1>}]} {
    %get3A = arith.constant 0 : index
    %get3A_0 = arith.constant 0 : index
    %get3A_1 = vector.load %arg2[%get3A, %get3A_0] : memref<1024x1xf32, #tpu.memory_space<vmem>>, vector<1024x1xf32>
    %get3A_2 = arith.constant 0 : index
    %get3A_3 = arith.constant 0 : index
    %get3A_4 = vector.load %arg3[%get3A_2, %get3A_3] : memref<1x1024xf32, #tpu.memory_space<vmem>>, vector<1x1024xf32>
    %mul3A = arith.constant 1024 : i32
    %mul3A_5 = arith.muli %arg0, %mul3A : i32
    %mul3A_6 = arith.constant 1024 : i32
    %mul3A_7 = arith.muli %arg1, %mul3A_6 : i32
    %broadcast_in_dim3A = arith.constant 1.000000e+00 : bf16
    %broadcast_in_dim3A_8 = vector.broadcast %broadcast_in_dim3A : bf16 to vector<1024x1xbf16>
    %eq3A = arith.constant 0 : i32
    %eq3A_9 = arith.cmpi eq, %arg1, %eq3A : i32
    %convert_element_type3A = arith.extui %eq3A_9 : i1 to i32
    %cond3A = arith.constant 0 : i32
    %cond3A_10 = arith.cmpi ne, %convert_element_type3A, %cond3A : i32
    scf.if %cond3A_10 {
      %broadcast_in_dim3A_27 = arith.constant 0 : i32
      %broadcast_in_dim3A_28 = vector.broadcast %broadcast_in_dim3A_27 : i32 to vector<1024x1xi32>
      %swap3A = arith.constant 0 : index
      %swap3A_29 = arith.constant 0 : index
      %swap3A_30 = vector.load %arg4[%swap3A, %swap3A_29] : memref<1024x1xi32, #tpu.memory_space<vmem>>, vector<1024x1xi32>
      tpu.vector_store %arg4[%swap3A, %swap3A_29], %broadcast_in_dim3A_28 {strides = array<i32>} : memref<1024x1xi32, #tpu.memory_space<vmem>>, vector<1024x1xi32>,
    } else {
    }
    %add3A = arith.constant 1024 : i32
    %add3A_11 = arith.addi %mul3A_7, %add3A : i32
    %le3A = arith.cmpi sle, %add3A_11, %mul3A_5 : i32
    %convert_element_type3A_12 = arith.extui %le3A : i1 to i32
    %cond3A_13 = arith.constant 0 : i32
    %cond3A_14 = arith.cmpi ne, %convert_element_type3A_12, %cond3A_13 : i32
    scf.if %cond3A_14 {
      %le3A_27 = vector.broadcast %get3A_4 : vector<1x1024xf32> to vector<1024x1024xf32>
      %le3A_28 = vector.broadcast %get3A_1 : vector<1024x1xf32> to vector<1024x1024xf32>
      %le3A_29 = arith.cmpf ole, %le3A_27, %le3A_28 : vector<1024x1024xf32>
      %convert_element_type3A_30 = arith.extui %le3A_29 : vector<1024x1024xi1> to vector<1024x1024xi32>
      %convert_element_type3A_31 = arith.sitofp %convert_element_type3A_30 : vector<1024x1024xi32> to vector<1024x1024xf32>
      %convert_element_type3A_32 = arith.truncf %convert_element_type3A_31 : vector<1024x1024xf32> to vector<1024x1024xbf16>
      %dot_general3A = arith.constant dense<0.000000e+00> : vector<1024x1xf32>
      %dot_general3A_33 = tpu.matmul %convert_element_type3A_32, %broadcast_in_dim3A_8, %dot_general3A {dimension_numbers = #tpu.dot_dimension_numbers<[1], [0], [0], [1], [0, 0, 1, 1], [], []>, transpose_lhs_hint = false} : vector<1024x1024xbf16>, vector<1024x1xbf16>, vector<1024x1xf32> -> vector<1024x1xf32>
      %get3A_34 = arith.constant 0 : index
      %get3A_35 = arith.constant 0 : index
      %get3A_36 = vector.load %arg4[%get3A_34, %get3A_35] : memref<1024x1xi32, #tpu.memory_space<vmem>>, vector<1024x1xi32>
      %convert_element_type3A_37 = arith.fptosi %dot_general3A_33 : vector<1024x1xf32> to vector<1024x1xi32>
      %add3A_38 = arith.addi %get3A_36, %convert_element_type3A_37 : vector<1024x1xi32>
      %swap3A = arith.constant 0 : index
      %swap3A_39 = arith.constant 0 : index
      %swap3A_40 = vector.load %arg4[%swap3A, %swap3A_39] : memref<1024x1xi32, #tpu.memory_space<vmem>>, vector<1024x1xi32>
      tpu.vector_store %arg4[%swap3A, %swap3A_39], %add3A_38 {strides = array<i32>} : memref<1024x1xi32, #tpu.memory_space<vmem>>, vector<1024x1xi32>,
    } else {
    }
    %add3A_15 = arith.constant 1024 : i32
    %add3A_16 = arith.addi %mul3A_5, %add3A_15 : i32
    %ge3A = arith.cmpi sge, %mul3A_7, %add3A_16 : i32
    %convert_element_type3A_17 = arith.extui %ge3A : i1 to i32
    %cond3A_18 = arith.constant 0 : i32
    %cond3A_19 = arith.cmpi ne, %convert_element_type3A_17, %cond3A_18 : i32
    scf.if %cond3A_19 {
      %lt3A_27 = vector.broadcast %get3A_4 : vector<1x1024xf32> to vector<1024x1024xf32>
      %lt3A_28 = vector.broadcast %get3A_1 : vector<1024x1xf32> to vector<1024x1024xf32>
      %lt3A_29 = arith.cmpf olt, %lt3A_27, %lt3A_28 : vector<1024x1024xf32>
      %convert_element_type3A_30 = arith.extui %lt3A_29 : vector<1024x1024xi1> to vector<1024x1024xi32>
      %convert_element_type3A_31 = arith.sitofp %convert_element_type3A_30 : vector<1024x1024xi32> to vector<1024x1024xf32>
      %convert_element_type3A_32 = arith.truncf %convert_element_type3A_31 : vector<1024x1024xf32> to vector<1024x1024xbf16>
      %dot_general3A = arith.constant dense<0.000000e+00> : vector<1024x1xf32>
      %dot_general3A_33 = tpu.matmul %convert_element_type3A_32, %broadcast_in_dim3A_8, %dot_general3A {dimension_numbers = #tpu.dot_dimension_numbers<[1], [0], [0], [1], [0, 0, 1, 1], [], []>, transpose_lhs_hint = false} : vector<1024x1024xbf16>, vector<1024x1xbf16>, vector<1024x1xf32> -> vector<1024x1xf32>
      %get3A_34 = arith.constant 0 : index
      %get3A_35 = arith.constant 0 : index
      %get3A_36 = vector.load %arg4[%get3A_34, %get3A_35] : memref<1024x1xi32, #tpu.memory_space<vmem>>, vector<1024x1xi32>
      %convert_element_type3A_37 = arith.fptosi %dot_general3A_33 : vector<1024x1xf32> to vector<1024x1xi32>
      %add3A_38 = arith.addi %get3A_36, %convert_element_type3A_37 : vector<1024x1xi32>
      %swap3A = arith.constant 0 : index
      %swap3A_39 = arith.constant 0 : index
      %swap3A_40 = vector.load %arg4[%swap3A, %swap3A_39] : memref<1024x1xi32, #tpu.memory_space<vmem>>, vector<1024x1xi32>
      tpu.vector_store %arg4[%swap3A, %swap3A_39], %add3A_38 {strides = array<i32>} : memref<1024x1xi32, #tpu.memory_space<vmem>>, vector<1024x1xi32>,
    } else {
    }
    %add3A_20 = arith.constant 1024 : i32
    %add3A_21 = arith.addi %mul3A_7, %add3A_20 : i32
    %gt3A = arith.cmpi sgt, %add3A_21, %mul3A_5 : i32
    %add3A_22 = arith.constant 1024 : i32
    %add3A_23 = arith.addi %mul3A_5, %add3A_22 : i32
    %lt3A = arith.cmpi slt, %mul3A_7, %add3A_23 : i32
    %and3A = arith.andi %gt3A, %lt3A : i1
    %convert_element_type3A_24 = arith.extui %and3A : i1 to i32
    %cond3A_25 = arith.constant 0 : i32
    %cond3A_26 = arith.cmpi ne, %convert_element_type3A_24, %cond3A_25 : i32
    scf.if %cond3A_26 {
      %iota3A = tpu.iota {dimensions = array<i32: 0>} : vector<1024x1xi32>
      %add3A_27 = vector.broadcast %mul3A_5 : i32 to vector<1024x1xi32>
      %add3A_28 = arith.addi %add3A_27, %iota3A : vector<1024x1xi32>
      %iota3A_29 = tpu.iota {dimensions = array<i32: 1>} : vector<1x1024xi32>
      %add3A_30 = vector.broadcast %mul3A_7 : i32 to vector<1x1024xi32>
      %add3A_31 = arith.addi %add3A_30, %iota3A_29 : vector<1x1024xi32>
      %lt3A_32 = vector.broadcast %get3A_4 : vector<1x1024xf32> to vector<1024x1024xf32>
      %lt3A_33 = vector.broadcast %get3A_1 : vector<1024x1xf32> to vector<1024x1024xf32>
      %lt3A_34 = arith.cmpf olt, %lt3A_32, %lt3A_33 : vector<1024x1024xf32>
      %eq3A_35 = vector.broadcast %get3A_4 : vector<1x1024xf32> to vector<1024x1024xf32>
      %eq3A_36 = vector.broadcast %get3A_1 : vector<1024x1xf32> to vector<1024x1024xf32>
      %eq3A_37 = arith.cmpf oeq, %eq3A_35, %eq3A_36 : vector<1024x1024xf32>
      %lt3A_38 = vector.broadcast %add3A_31 : vector<1x1024xi32> to vector<1024x1024xi32>
      %lt3A_39 = vector.broadcast %add3A_28 : vector<1024x1xi32> to vector<1024x1024xi32>
      %lt3A_40 = arith.cmpi slt, %lt3A_38, %lt3A_39 : vector<1024x1024xi32>
      %and3A_41 = arith.andi %eq3A_37, %lt3A_40 : vector<1024x1024xi1>
      %or3A = arith.ori %lt3A_34, %and3A_41 : vector<1024x1024xi1>
      %convert_element_type3A_42 = arith.extui %or3A : vector<1024x1024xi1> to vector<1024x1024xi32>
      %convert_element_type3A_43 = arith.sitofp %convert_element_type3A_42 : vector<1024x1024xi32> to vector<1024x1024xf32>
      %convert_element_type3A_44 = arith.truncf %convert_element_type3A_43 : vector<1024x1024xf32> to vector<1024x1024xbf16>
      %dot_general3A = arith.constant dense<0.000000e+00> : vector<1024x1xf32>
      %dot_general3A_45 = tpu.matmul %convert_element_type3A_44, %broadcast_in_dim3A_8, %dot_general3A {dimension_numbers = #tpu.dot_dimension_numbers<[1], [0], [0], [1], [0, 0, 1, 1], [], []>, transpose_lhs_hint = false} : vector<1024x1024xbf16>, vector<1024x1xbf16>, vector<1024x1xf32> -> vector<1024x1xf32>
      %get3A_46 = arith.constant 0 : index
      %get3A_47 = arith.constant 0 : index
      %get3A_48 = vector.load %arg4[%get3A_46, %get3A_47] : memref<1024x1xi32, #tpu.memory_space<vmem>>, vector<1024x1xi32>
      %convert_element_type3A_49 = arith.fptosi %dot_general3A_45 : vector<1024x1xf32> to vector<1024x1xi32>
      %add3A_50 = arith.addi %get3A_48, %convert_element_type3A_49 : vector<1024x1xi32>
      %swap3A = arith.constant 0 : index
      %swap3A_51 = arith.constant 0 : index
      %swap3A_52 = vector.load %arg4[%swap3A, %swap3A_51] : memref<1024x1xi32, #tpu.memory_space<vmem>>, vector<1024x1xi32>
      tpu.vector_store %arg4[%swap3A, %swap3A_51], %add3A_50 {strides = array<i32>} : memref<1024x1xi32, #tpu.memory_space<vmem>>, vector<1024x1xi32>,
    } else {
    }
    return
  }
  func.func @transform_0(%arg0: i32, %arg1: i32) -> (i32, i32) {
    %c0_i32 = arith.constant 0 : i32
    %c0_i32_0 = arith.constant 0 : i32
    return %arg0, %c0_i32 : i32, i32
  }
  func.func @transform_1(%arg0: i32, %arg1: i32) -> (i32, i32) {
    %c0_i32 = arith.constant 0 : i32
    %c0_i32_0 = arith.constant 0 : i32
    return %c0_i32, %arg1 : i32, i32
  }
  func.func @transform_2(%arg0: i32, %arg1: i32) -> (i32, i32) {
    %c0_i32 = arith.constant 0 : i32
    %c0_i32_0 = arith.constant 0 : i32
    return %arg0, %c0_i32 : i32, i32
  }
}

</mosaic_0001>

<sc_bundles>
// kernel: kernel.6.cloned.1.call-start
scs
__scs_entry_jumppad:
0x0: {  	(pc) =	sbr.rel $0x88, $3  }
0x1: {  	(tag) =	ssettag $0x0;
	lr =	simm.s32 $0x1  }
0x2: {  	[smem:$0x3F9F] =	sst lr;
	_ =	strace $0xD0000000  }
0x3: {  	_ = 	snop  }
0x4: {  	_ = 	snop  }
0x5: {  	_ = 	snop  }
0x6: {  	_ = 	snop  }
0x7: {  	_ = 	snop  }
__scs_overlays_trampoline_lowered:
0x8: {  	[smem:$0x3FAE] =	sst s0  }
0x9: {  	[smem:$0x3FAF] =	sst s1  }
0xa: {  	[smem:$0x3FB0] =	sst s2  }
0xb: {  	[smem:$0x3FB1] =	sst s3  }
0xc: {  	[smem:$0x3FB2] =	sst s4  }
0xd: {  	[smem:$0x3FB3] =	sst s5  }
0xe: {  	[smem:$0x3FB4] =	sst s6  }
0xf: {  	[smem:$0x3FB5] =	sst s7  }
0x10: {  	[smem:$0x3FB6] =	sst s8  }
0x11: {  	[smem:$0x3FB7] =	sst s9;
	s0 =	simm.s32 @!p0 $0x0  }
0x12: {  	s1 =	sld [smem:$0x3F9D];
	s0 =	simm.s32 @p0 $0x1  }
0x13: {  	[smem:$0x3FB8] =	sst s0;
	s0 =	simm.s32 @!p1 $0x0  }
0x14: {  	s2 =	sld [smem:$0x3F9C];
	s0 =	simm.s32 @p1 $0x1  }
0x15: {  	[smem:$0x3FB9] =	sst s0;
	s0 =	simm.s32 @!p2 $0x0  }
0x16: {  	s3 =	sld [smem:$0x3FDB];
	s0 =	simm.s32 @p2 $0x1  }
0x17: {  	s4 =	simm.s32 $0x1BF5;
	[smem:$0x3FBB] =	sst s0  }
0x18: {  	s0 =	sld [smem:$0x3F9E];
	_ =	swait.ge [sflag:s4], $0x0  }
0x19: {  	s7 =	sld [smem:$0x3F9F]  }
0x1a: {  	s8 =	sadd.s32 $0xFFFFE003, lr  }
0x1b: {  	s9 =	sadd.s32 $0xFFFFFEF7, lr;
	s5 =	simm.s32 $0xFFFFFFFF;
	p2 =	slt.u32 s8, $0xFFFFF086  }
0x1c: {  	p1 =	slt.u32 s9, $0xF7A;
	s5 =	simm.s32 @!p2 $0x0  }
0x1d: {  	s5 =	simm.s32 @p1 $0x1;
	p0 =	seq.s32 s7, s2  }
0x1e: {  	s7 =	smul.u32 @!p0 $0xF7A, s2;
	p2 =	seq.s32 @!p0 s5, $0x0  }
0x1f: {  	s9 =	smul.u32 $0xF7A, s1;
	s8 =	simm.s32 @!p0 $0x1BF5;
	p2 =	por !p2, p0  }
0x20: {  	[sflag:s8] =	ssyncset.s32 @!p0 $0xFFFFF086;
	s6 =	sadd.s32 @!p0 s3, s7;
	s7 =	simm.s32 @!p0 $0x108  }
0x21: {  	s3 =	sadd.s32 s3, s9;
	s6 =	sadd.s32 @!p0 $0x88, s6;
	s7 =	simm.s32 @p2 $0x1082  }
0x22: {  	[simem:s7], [sflag:s8] =	dma.local @!p0 [hbm:s6], $0xF7A  }
0x23: {  	s9 =	sor.u32 $0xD0000000, s2;
	s6 =	simm.s32 $0x108;
	_ =	swait.ge @!p0 [sflag:s8], $0x0  }
0x24: {  	s3 =	sadd.s32 $0x88, s3;
	s6 =	simm.s32 @!p1 $0x1082;
	[sflag:s4] =	ssyncset.s32 $0xFFFFF086  }
0x25: {  	[simem:s6], [sflag:s4] =	dma.local [hbm:s3], $0xF7A  }
0x26: {  	[smem:$0x3F9F] =	sst s1;
	(tag) =	ssettag s2;
	_ =	strace s9  }
0x27: {  	s1 =	sld [smem:$0x3FAF]  }
0x28: {  	s2 =	sld [smem:$0x3FB0]  }
0x29: {  	s4 =	sld [smem:$0x3FB2]  }
0x2a: {  	p0 =	seq.s32 s5, $0x0;
	s5 =	sld [smem:$0x3FB3]  }
0x2b: {  	s6 =	sld [smem:$0x3FB4]  }
0x2c: {  	s7 =	sld [smem:$0x3FB5]  }
0x2d: {  	s3 =	simm.s32 $0x108;
	s8 =	sld [smem:$0x3FB6]  }
0x2e: {  	s3 =	simm.s32 @!p0 $0x1082;
	s9 =	sld [smem:$0x3FB7]  }
0x2f: {  	lr =	sadd.s32 s0, s3;
	s0 =	sld [smem:$0x3FAE]  }
0x30: {  	s3 =	sld [smem:$0x3FB1]  }
0x31: {  	[smem:$0x3FBA] =	sst s10  }
0x32: {  	s10 =	sld [smem:$0x3FB8];
	_ =	sdelay $0x3  }
0x33: {  	p0 =	seq.s32 s10, $0x1;
	s10 =	sld [smem:$0x3FBA];
	_ =	sdelay $0x3  }
0x34: {  	[smem:$0x3FBA] =	sst s10  }
0x35: {  	s10 =	sld [smem:$0x3FB9];
	_ =	sdelay $0x3  }
0x36: {  	p1 =	seq.s32 s10, $0x1;
	s10 =	sld [smem:$0x3FBA];
	_ =	sdelay $0x3  }
0x37: {  	[smem:$0x3FBA] =	sst s10  }
0x38: {  	s10 =	sld [smem:$0x3FBB]  }
0x39: {  	_ = 	snop;
	(pc) =	sbr.ind lr, $3  }
0x3a: {  	_ = 	snop  }
0x3b: {  	_ = 	snop  }
0x3c: {  	p2 =	seq.s32 s10, $0x1;
	s10 =	sld [smem:$0x3FBA]  }
0x3d: {  	_ =	shalt  }
0x3e: {  	_ =	shalt  }
0x3f: {  	_ =	shalt  }
0x40: {  	_ =	shalt  }
0x41: {  	_ =	shalt  }
0x42: {  	_ =	shalt  }
0x43: {  	_ =	shalt  }
0x44: {  	_ =	shalt  }
0x45: {  	_ =	shalt  }
0x46: {  	_ =	shalt  }
0x47: {  	_ =	shalt  }
0x48: {  	_ =	shalt  }
0x49: {  	_ =	shalt  }
0x4a: {  	_ =	shalt  }
0x4b: {  	_ =	shalt  }
0x4c: {  	_ =	shalt  }
0x4d: {  	_ =	shalt  }
0x4e: {  	_ =	shalt  }
0x4f: {  	_ =	shalt  }
0x50: {  	_ =	shalt  }
0x51: {  	_ =	shalt  }
0x52: {  	_ =	shalt  }
0x53: {  	_ =	shalt  }
0x54: {  	_ =	shalt  }
0x55: {  	_ =	shalt  }
0x56: {  	_ =	shalt  }
0x57: {  	_ =	shalt  }
0x58: {  	_ =	shalt  }
0x59: {  	_ =	shalt  }
0x5a: {  	_ =	shalt  }
0x5b: {  	_ =	shalt  }
0x5c: {  	_ =	shalt  }
0x5d: {  	_ =	shalt  }
0x5e: {  	_ =	shalt  }
0x5f: {  	_ =	shalt  }
0x60: {  	_ =	shalt  }
0x61: {  	_ =	shalt  }
0x62: {  	_ =	shalt  }
0x63: {  	_ =	shalt  }
0x64: {  	_ =	shalt  }
0x65: {  	_ =	shalt  }
0x66: {  	_ =	shalt  }
0x67: {  	_ =	shalt  }
0x68: {  	_ =	shalt  }
0x69: {  	_ =	shalt  }
0x6a: {  	_ =	shalt  }
0x6b: {  	_ =	shalt  }
0x6c: {  	_ =	shalt  }
0x6d: {  	_ =	shalt  }
0x6e: {  	_ =	shalt  }
0x6f: {  	_ =	shalt  }
0x70: {  	_ =	shalt  }
0x71: {  	_ =	shalt  }
0x72: {  	_ =	shalt  }
0x73: {  	_ =	shalt  }
0x74: {  	_ =	shalt  }
0x75: {  	_ =	shalt  }
0x76: {  	_ =	shalt  }
0x77: {  	_ =	shalt  }
0x78: {  	_ =	shalt  }
0x79: {  	_ =	shalt  }
0x7a: {  	_ =	shalt  }
0x7b: {  	_ =	shalt  }
0x7c: {  	_ =	shalt  }
0x7d: {  	_ =	shalt  }
0x7e: {  	_ =	shalt  }
0x7f: {  	_ =	shalt  }
0x80: {  	_ =	shalt  }
0x81: {  	_ =	shalt  }
0x82: {  	_ =	shalt  }
0x83: {  	_ =	shalt  }
0x84: {  	_ =	shalt  }
0x85: {  	_ =	shalt  }
0x86: {  	_ =	shalt  }
0x87: {  	_ =	shalt  }
.Lfunc_end0:
.L_simem_size_0:
called_computation_lowered:
.L_overlay_start_0:
0x88: {  	s2 =	sld [smem:$0x3FD9]  }
0x89: {  	s3 =	sld [smem:$0x3FFE];
	_ =	sdelay $0x1  }
0x8a: {  	s1 =	srdreg.scid  }
0x8b: {  	s0 =	sand.u32 $0x1, s1  }
0x8c: {  	s14 =	sshll.u32 s0, $0xA;
	s2 =	sadd.s32 s3, s2  }
0x8d: {  	s2 =	sadd.s32 s2, s14  }
0x8e: {  	[smem:$0x3FC6] =	sst s2  }
0x8f: {  	_ = 	snop  }
0x90: {  	s2 =	sld [smem:$0x3FD0];
	_ =	sdelay $0x2  }
0x91: {  	s15 =	simm.s32 $0xA;
	s4 =	simm.s32 $0x10  }
0x92: {  	[smem:s4], [sflag:s15] =	dma.local [hbm:s2], $0x1  }
0x93: {  	_ =	swait.eq [sflag:s15], $0x1  }
0x94: {  	[sflag:s15] =	ssyncset.done $0x0  }
0x95: {  	[sflag:s15] =	ssyncadd.s32 $0xFFFFFFFF  }
0x96: {  	s16 =	sld [smem:$0x10];
	(tm) =	ssettm $0x1  }
0x97: {  	s17 =	sld [smem:$0x3FFB];
	_ =	sdelay $0x3  }
0x98: {  	_ =	strace s17  }
0x99: {  	s3 =	sld [smem:$0x3FFC];
	_ =	sdelay $0x3  }
0x9a: {  	_ =	strace s3  }
0x9b: {  	s3 =	sld [smem:$0x3FFD];
	_ =	sdelay $0x3  }
0x9c: {  	_ =	strace s3  }
0x9d: {  	_ =	strace $0x8FFFFFFF  }
0x9e: {  	s18 =	sld [smem:$0x3FDB];
	_ =	sdelay $0x1  }
0x9f: {  	s19 =	simm.s32 $_scs_section_size  }
0xa0: {  	s5 =	simm.s32 $_size__tile_overlayer_lowered;
	s6 =	simm.s32 $_tile_overlayer_lowered  }
0xa1: {  	s22 =	simm.s32 $0x1BFF;
	s21 =	sshll.u32 s6, $0x1;
	s3 =	sadd.s32 s19, s18  }
0xa2: {  	s7 =	simm.s32 $0x0;
	s20 =	sshll.u32 s5, $0x1;
	s5 =	sadd.s32 s21, s3  }
0xa3: {  	[timem:s7], [sflag:s22] =	dma.local [hbm:s5], s20  }
0xa4: {  	_ =	swait.ge [sflag:s22], s20  }
0xa5: {  	s4 =	ssub.s32 $0x0, s20;
	[sflag:s22] =	ssyncset.done $0x0  }
0xa6: {  	[sflag:s22] =	ssyncadd.s32 s4;
	_ =	sdelay $0x1  }
0xa7: {  	s23 =	simm.s32 $0x1B8B  }
0xa8: {  	_ =	swait.ge [sflag:s23], $0x1  }
0xa9: {  	[sflag:s23] =	ssyncset.done $0x0  }
0xaa: {  	s25 =	simm.s32 $0x1B8E;
	s24 =	sld [smem:$0x3FFE];
	[sflag:s23] =	ssyncadd.s32 $0xFFFFFFFF  }
0xab: {  	s26 =	simm.s32 $execute0_lowered;
	[smem:$0x3FD2] =	sst s25  }
0xac: {  	s5 =	sshll.u32 s26, $0x1;
	_ =	strace $0x80000046;
	[dreg:$0x1] =	wrdreg $0xFFFFFFFF  }
0xad: {  	s28 =	simm.s32 $_size_execute0_lowered;
	s3 =	sadd.s32 s3, s5;
	[dreg:$0x0] =	wrdreg $0x0  }
0xae: {  	s5 =	sshll.u32 s28, $0x1;
	[dreg:$0x2] =	wrdreg s3  }
0xaf: {  	[dreg:$0x3] =	wrdreg s5  }
0xb0: {  	[dreg:$0x4] =	wrdreg $0xC0  }
0xb1: {  	_ =	task [dreg:s7], $0x5FFFF  }
0xb2: {  	[dreg:$0x1] =	wrdreg $0xFFFFFFFF  }
0xb3: {  	[dreg:$0x0] =	wrdreg $0x60  }
0xb4: {  	[dreg:$0x2] =	wrdreg s24  }
0xb5: {  	[dreg:$0x3] =	wrdreg s16  }
0xb6: {  	[dreg:$0x4] =	wrdreg $0x9  }
0xb7: {  	_ =	task.clear_ibuf [dreg:s7], $0x5FFFF;
	_ =	strace $0x90000046  }
0xb8: {  	s29 =	simm.s32 $0x9;
	_ =	strace $0x80000048  }
0xb9: {  	_ =	swait.ge [sflag:s29], $0x1  }
0xba: {  	[sflag:s29] =	ssyncadd.s32 $0xFFFFFFFF  }
0xbb: {  	_ =	strace $0x90000048  }
0xbc: {  	_ =	sfence  }
0xbd: {  	s30 =	sld [smem:$0x0];
	_ =	sdelay $0x2  }
0xbe: {  	s31 =	sshll.u32 s1, $0xD;
	s1 =	sshrl.u32 s1, $0x2  }
0xbf: {  	s3 =	sand.u32 $0x4000, s31;
	s1 =	sadd.s32 s1, s30  }
0xc0: {  	s0 =	sor.u32 s3, s0;
	s1 =	sshll.u32 s1, $0x11  }
0xc1: {  	s0 =	sor.u32 s1, s0  }
0xc2: {  	s0 =	sadd.s32 $0x8F2B, s0  }
0xc3: {  	[sflag:s0] =	ssyncadd.remote.s32 $0x1  }
0xc4: {  	_ =	sfence.sel $0xFFFF  }
0xc5: {  	[dreg:$0x0] =	wrdreg $0xFFFFFFFF;
	(pc) =	sbr.abs _section_cstart, $3  }
0xc6: {  	[dreg:$0x1] =	wrdreg $0xFFFFFFFF  }
0xc7: {  	_ =	task.clear_ibuf [dreg:s7], $0x2FFFF;
	_ =	strace $0x9FFFFFFF  }
0xc8: {  	(tm) =	ssettm $0x7FFFFFFF  }
0xc9: {  	_ =	shalt  }
tec
execute0_lowered:
.L_overlay_start_1:
0x0: {  	(tag) =	ssettag $0x1  }
0x1: {  	s3 =	rddreg [dreg:$0x0]  }
0x2: {  	s1 =	srdreg.scid;
	s0 =	stileid.u32  }
0x3: {  	s4 =	rddreg [dreg:$0x1];
	s5 =	sand.u32 $0x1, s1;
	s2 =	sshll.u32 s0, $0x1  }
0x4: {  	s1 =	rddreg [dreg:$0x2];
	s6 =	sor.u32 s5, s2  }
0x5: {  	s2 =	simm.s32 $0x0;
	s5 =	ssub.s32 $0x2, s5;
	s7 =	smul.u32 $0x4E2, s6  }
0x6: {  	[smem:$0x7FF] =	sst s2;
	s8 =	sshrl.u32 s5, $0x1;
	s6 =	smul.u32 $0x500, s6  }
0x7: {  	_ =	strace $0x80000047;
	s5 =	ssub.s32 s5, s8;
	s8 =	simm.s32 $0x0  }
0x8: {  	s3 =	sadd.s32 s7, s3;
	s4 =	sadd.s32 s4, s6;
	s5 =	smax.u32 s5, $0x1  }
0x9: {  	v0 =	vimm.f32 $0.0e+00;
	v1 =	vimm.f32 $1.000000000e+00;
	s6 =	simm.s32 $0x1;
	s7 =	simm.s32 $0x2780;
	s3 =	sadd.s32 $0x400, s3  }
.LBB2_1:
0xa: {  	[tilespmem:s2], [sflag:$0x1] =	stream.linear.gather [hbm4b:s3+s2], $0x2710, $0x38;
	[tilespmem:$0x4F80] =	vst v63  }
0xb: {  	_ =	swait.ge [sflag:s6], $0x2710  }
0xc: {  	[sflag:s6] =	ssyncset.done $0x0  }
0xd: {  	s11 =	simm.s32 $0x27C0;
	[sflag:s6] =	ssyncadd.s32 $0xFFFFD8F0  }
0xe: {  	[tilespmem:s11+$0xFFFFFFC0] =	vst v0  }
0xf: {  	[tilespmem:s11+$0x30] =	vst v0  }
0x10: {  	[tilespmem:s11+$0x20] =	vst v0  }
0x11: {  	[tilespmem:s11+$0x10] =	vst v0  }
0x12: {  	[tilespmem:s11+$0x0] =	vst v0  }
0x13: {  	[tilespmem:s11+$0xFFFFFFF0] =	vst v0  }
0x14: {  	s9 =	simm.s32 $0xFFFFFFF8;
	s12 =	simm.s32 $0x0;
	[tilespmem:s11+$0xFFFFFFE0] =	vst v0  }
.LBB2_2:
0x15: {  	s12 =	sadd.s32 $0x8, s12;
	[tilespmem:s11+$0xFFFFFFD0] =	vst v0;
	s11 =	sadd.s32 $0x80, s11;
	s10 =	simm.s32 $0x40  }
0x16: {  	[tilespmem:s11+$0xFFFFFFC0] =	vst v0;
	p0 =	slt.u32 s12, $0x278  }
0x17: {  	[tilespmem:s11+$0x30] =	vst v0  }
.Ltmp0:
0x18: {  	[tilespmem:s11+$0x20] =	vst v0;
	(pc) =	sbr.rel @p0 .LBB2_2-.Ltmp0, $4  }
0x19: {  	[tilespmem:s11+$0x10] =	vst v0  }
0x1a: {  	[tilespmem:s11+$0x0] =	vst v0  }
0x1b: {  	[tilespmem:s11+$0xFFFFFFF0] =	vst v0  }
0x1c: {  	[tilespmem:s11+$0xFFFFFFE0] =	vst v0  }
0x1d: {  	[tilespmem:s11+$0xFFFFFFD0] =	vst v0  }
.LBB2_4:
0x1e: {  	v2 =	vld [tilespmem:s10+$0xFFFFFFC0];
	_ =	sdelay $0x7  }
0x1f: {  	[tilespmem:v2+s7+$0x0] =	vst.idx.add.f32.msk $0xffff, v1  }
0x20: {  	v2 =	vld [tilespmem:s10+$0xFFFFFFD0];
	_ =	sdelay $0x7  }
0x21: {  	[tilespmem:v2+s7+$0x0] =	vst.idx.add.f32.msk $0xffff, v1  }
0x22: {  	v2 =	vld [tilespmem:s10+$0xFFFFFFE0];
	_ =	sdelay $0x7  }
0x23: {  	[tilespmem:v2+s7+$0x0] =	vst.idx.add.f32.msk $0xffff, v1  }
0x24: {  	v2 =	vld [tilespmem:s10+$0xFFFFFFF0];
	_ =	sdelay $0x7  }
0x25: {  	[tilespmem:v2+s7+$0x0] =	vst.idx.add.f32.msk $0xffff, v1  }
0x26: {  	v2 =	vld [tilespmem:s10+$0x0];
	_ =	sdelay $0x7  }
0x27: {  	[tilespmem:v2+s7+$0x0] =	vst.idx.add.f32.msk $0xffff, v1  }
0x28: {  	v2 =	vld [tilespmem:s10+$0x10];
	_ =	sdelay $0x7  }
0x29: {  	[tilespmem:v2+s7+$0x0] =	vst.idx.add.f32.msk $0xffff, v1  }
0x2a: {  	v2 =	vld [tilespmem:s10+$0x20];
	_ =	sdelay $0x7  }
0x2b: {  	[tilespmem:v2+s7+$0x0] =	vst.idx.add.f32.msk $0xffff, v1  }
0x2c: {  	v2 =	vld [tilespmem:s10+$0x30];
	_ =	sdelay $0x1  }
0x2d: {  	s9 =	sadd.s32 $0x8, s9  }
0x2e: {  	p0 =	slt.u32 s9, $0x268  }
.Ltmp1:
0x2f: {  	_ = 	snop;
	(pc) =	sbr.rel @p0 .LBB2_4-.Ltmp1, $2  }
0x30: {  	_ =	sdelay $0x2  }
0x31: {  	s10 =	sadd.s32 $0x80, s10;
	[tilespmem:v2+s7+$0x0] =	vst.idx.add.f32.msk $0xffff, v1  }
0x32: {  	v2 =	vld [tilespmem:$0x2700];
	_ =	sdelay $0x5  }
0x33: {  	s8 =	sadd.s32 $0x1, s8  }
0x34: {  	p0 =	sne.s32 s8, s5  }
.Ltmp2:
0x35: {  	[tilespmem:v2+s7+$0x0] =	vst.idx.add.f32.msk $0xffff, v1;
	(pc) =	sbr.rel @p0 .LBB2_1-.Ltmp2, $4  }
0x36: {  	[hbm4b:s4+s2] =	stream.linear.scatter [tilespmem:s7], [sflag:$0x1], $0x2800, $0x38;
	[tilespmem:$0x4F80] =	vst v63  }
0x37: {  	_ =	swait.ge [sflag:s6], $0x2800  }
0x38: {  	[sflag:s6] =	ssyncset.done $0x0  }
0x39: {  	[sflag:s6] =	ssyncadd.s32 $0xFFFFD800  }
0x3a: {  	_ =	sfence.sel $0x180000  }
0x3b: {  	[bflag:$0x0] =	sbarrier.arrive $0xFFFF  }
0x3c: {  	p0 =	sne.s32 s0, $0x0;
	_ =	strace $0x90000047  }
0x3d: {  	s0 =	sadd.s32 @!p0 $0x100000, s1;
	[bflag:$0x2] =	sbarrier.arrive $0xFFFF  }
0x3e: {  	[sflag:s0] =	ssyncadd.tile.s32 @!p0 $0x1;
	_ =	shalt  }
.Lfunc_end2:
_tile_overlayer_lowered:
.L_overlay_start_2:
0x3f: {  	(tag) =	ssettag $0x2  }
0x40: {  	s0 =	rddreg [dreg:$0x0];
	s2 =	stileid.u32  }
0x41: {  	s1 =	rddreg [dreg:$0x1];
	p0 =	sne.s32 s2, $0x0  }
0x42: {  	s3 =	rddreg [dreg:$0x2];
	[bflag:$0x3] =	sbarrier.arrive $0xFFFF;
	s2 =	simm.s32 @!p0 $0x1C01  }
0x43: {  	[timem:s3], [sflag:s2] =	dma.local @!p0 [hbm:s0], s1  }
0x44: {  	s0 =	simm.s32 @!p0 $0x1  }
0x45: {  	_ =	swait.ge @!p0 [sflag:s0], s1  }
0x46: {  	s1 =	ssub.s32 @!p0 $0x0, s1;
	[sflag:s0] =	ssyncset.done @!p0 $0x0  }
0x47: {  	[sflag:s0] =	ssyncadd.s32 @!p0 s1  }
0x48: {  	[bflag:$0x3] =	sbarrier.arrive $0xFFFF  }
0x49: {  	_ =	shalt  }

// kernel: kernel.9.cloned.1.call-start
scs
__scs_entry_jumppad:
0x0: {  	(pc) =	sbr.rel $0x88, $3  }
0x1: {  	(tag) =	ssettag $0x0;
	lr =	simm.s32 $0x1  }
0x2: {  	[smem:$0x3F9F] =	sst lr;
	_ =	strace $0xD0000000  }
0x3: {  	_ = 	snop  }
0x4: {  	_ = 	snop  }
0x5: {  	_ = 	snop  }
0x6: {  	_ = 	snop  }
0x7: {  	_ = 	snop  }
__scs_overlays_trampoline_lowered:
0x8: {  	[smem:$0x3FAE] =	sst s0  }
0x9: {  	[smem:$0x3FAF] =	sst s1  }
0xa: {  	[smem:$0x3FB0] =	sst s2  }
0xb: {  	[smem:$0x3FB1] =	sst s3  }
0xc: {  	[smem:$0x3FB2] =	sst s4  }
0xd: {  	[smem:$0x3FB3] =	sst s5  }
0xe: {  	[smem:$0x3FB4] =	sst s6  }
0xf: {  	[smem:$0x3FB5] =	sst s7  }
0x10: {  	[smem:$0x3FB6] =	sst s8  }
0x11: {  	[smem:$0x3FB7] =	sst s9;
	s0 =	simm.s32 @!p0 $0x0  }
0x12: {  	s1 =	sld [smem:$0x3F9D];
	s0 =	simm.s32 @p0 $0x1  }
0x13: {  	[smem:$0x3FB8] =	sst s0;
	s0 =	simm.s32 @!p1 $0x0  }
0x14: {  	s2 =	sld [smem:$0x3F9C];
	s0 =	simm.s32 @p1 $0x1  }
0x15: {  	[smem:$0x3FB9] =	sst s0;
	s0 =	simm.s32 @!p2 $0x0  }
0x16: {  	s3 =	sld [smem:$0x3FDB];
	s0 =	simm.s32 @p2 $0x1  }
0x17: {  	s4 =	simm.s32 $0x1BF5;
	[smem:$0x3FBB] =	sst s0  }
0x18: {  	s0 =	sld [smem:$0x3F9E];
	_ =	swait.ge [sflag:s4], $0x0  }
0x19: {  	s7 =	sld [smem:$0x3F9F]  }
0x1a: {  	s8 =	sadd.s32 $0xFFFFE003, lr  }
0x1b: {  	s9 =	sadd.s32 $0xFFFFFEF7, lr;
	s5 =	simm.s32 $0xFFFFFFFF;
	p2 =	slt.u32 s8, $0xFFFFF086  }
0x1c: {  	p1 =	slt.u32 s9, $0xF7A;
	s5 =	simm.s32 @!p2 $0x0  }
0x1d: {  	s5 =	simm.s32 @p1 $0x1;
	p0 =	seq.s32 s7, s2  }
0x1e: {  	s7 =	smul.u32 @!p0 $0xF7A, s2;
	p2 =	seq.s32 @!p0 s5, $0x0  }
0x1f: {  	s9 =	smul.u32 $0xF7A, s1;
	s8 =	simm.s32 @!p0 $0x1BF5;
	p2 =	por !p2, p0  }
0x20: {  	[sflag:s8] =	ssyncset.s32 @!p0 $0xFFFFF086;
	s6 =	sadd.s32 @!p0 s3, s7;
	s7 =	simm.s32 @!p0 $0x108  }
0x21: {  	s3 =	sadd.s32 s3, s9;
	s6 =	sadd.s32 @!p0 $0x88, s6;
	s7 =	simm.s32 @p2 $0x1082  }
0x22: {  	[simem:s7], [sflag:s8] =	dma.local @!p0 [hbm:s6], $0xF7A  }
0x23: {  	s9 =	sor.u32 $0xD0000000, s2;
	s6 =	simm.s32 $0x108;
	_ =	swait.ge @!p0 [sflag:s8], $0x0  }
0x24: {  	s3 =	sadd.s32 $0x88, s3;
	s6 =	simm.s32 @!p1 $0x1082;
	[sflag:s4] =	ssyncset.s32 $0xFFFFF086  }
0x25: {  	[simem:s6], [sflag:s4] =	dma.local [hbm:s3], $0xF7A  }
0x26: {  	[smem:$0x3F9F] =	sst s1;
	(tag) =	ssettag s2;
	_ =	strace s9  }
0x27: {  	s1 =	sld [smem:$0x3FAF]  }
0x28: {  	s2 =	sld [smem:$0x3FB0]  }
0x29: {  	s4 =	sld [smem:$0x3FB2]  }
0x2a: {  	p0 =	seq.s32 s5, $0x0;
	s5 =	sld [smem:$0x3FB3]  }
0x2b: {  	s6 =	sld [smem:$0x3FB4]  }
0x2c: {  	s7 =	sld [smem:$0x3FB5]  }
0x2d: {  	s3 =	simm.s32 $0x108;
	s8 =	sld [smem:$0x3FB6]  }
0x2e: {  	s3 =	simm.s32 @!p0 $0x1082;
	s9 =	sld [smem:$0x3FB7]  }
0x2f: {  	lr =	sadd.s32 s0, s3;
	s0 =	sld [smem:$0x3FAE]  }
0x30: {  	s3 =	sld [smem:$0x3FB1]  }
0x31: {  	[smem:$0x3FBA] =	sst s10  }
0x32: {  	s10 =	sld [smem:$0x3FB8];
	_ =	sdelay $0x3  }
0x33: {  	p0 =	seq.s32 s10, $0x1;
	s10 =	sld [smem:$0x3FBA];
	_ =	sdelay $0x3  }
0x34: {  	[smem:$0x3FBA] =	sst s10  }
0x35: {  	s10 =	sld [smem:$0x3FB9];
	_ =	sdelay $0x3  }
0x36: {  	p1 =	seq.s32 s10, $0x1;
	s10 =	sld [smem:$0x3FBA];
	_ =	sdelay $0x3  }
0x37: {  	[smem:$0x3FBA] =	sst s10  }
0x38: {  	s10 =	sld [smem:$0x3FBB]  }
0x39: {  	_ = 	snop;
	(pc) =	sbr.ind lr, $3  }
0x3a: {  	_ = 	snop  }
0x3b: {  	_ = 	snop  }
0x3c: {  	p2 =	seq.s32 s10, $0x1;
	s10 =	sld [smem:$0x3FBA]  }
0x3d: {  	_ =	shalt  }
0x3e: {  	_ =	shalt  }
0x3f: {  	_ =	shalt  }
0x40: {  	_ =	shalt  }
0x41: {  	_ =	shalt  }
0x42: {  	_ =	shalt  }
0x43: {  	_ =	shalt  }
0x44: {  	_ =	shalt  }
0x45: {  	_ =	shalt  }
0x46: {  	_ =	shalt  }
0x47: {  	_ =	shalt  }
0x48: {  	_ =	shalt  }
0x49: {  	_ =	shalt  }
0x4a: {  	_ =	shalt  }
0x4b: {  	_ =	shalt  }
0x4c: {  	_ =	shalt  }
0x4d: {  	_ =	shalt  }
0x4e: {  	_ =	shalt  }
0x4f: {  	_ =	shalt  }
0x50: {  	_ =	shalt  }
0x51: {  	_ =	shalt  }
0x52: {  	_ =	shalt  }
0x53: {  	_ =	shalt  }
0x54: {  	_ =	shalt  }
0x55: {  	_ =	shalt  }
0x56: {  	_ =	shalt  }
0x57: {  	_ =	shalt  }
0x58: {  	_ =	shalt  }
0x59: {  	_ =	shalt  }
0x5a: {  	_ =	shalt  }
0x5b: {  	_ =	shalt  }
0x5c: {  	_ =	shalt  }
0x5d: {  	_ =	shalt  }
0x5e: {  	_ =	shalt  }
0x5f: {  	_ =	shalt  }
0x60: {  	_ =	shalt  }
0x61: {  	_ =	shalt  }
0x62: {  	_ =	shalt  }
0x63: {  	_ =	shalt  }
0x64: {  	_ =	shalt  }
0x65: {  	_ =	shalt  }
0x66: {  	_ =	shalt  }
0x67: {  	_ =	shalt  }
0x68: {  	_ =	shalt  }
0x69: {  	_ =	shalt  }
0x6a: {  	_ =	shalt  }
0x6b: {  	_ =	shalt  }
0x6c: {  	_ =	shalt  }
0x6d: {  	_ =	shalt  }
0x6e: {  	_ =	shalt  }
0x6f: {  	_ =	shalt  }
0x70: {  	_ =	shalt  }
0x71: {  	_ =	shalt  }
0x72: {  	_ =	shalt  }
0x73: {  	_ =	shalt  }
0x74: {  	_ =	shalt  }
0x75: {  	_ =	shalt  }
0x76: {  	_ =	shalt  }
0x77: {  	_ =	shalt  }
0x78: {  	_ =	shalt  }
0x79: {  	_ =	shalt  }
0x7a: {  	_ =	shalt  }
0x7b: {  	_ =	shalt  }
0x7c: {  	_ =	shalt  }
0x7d: {  	_ =	shalt  }
0x7e: {  	_ =	shalt  }
0x7f: {  	_ =	shalt  }
0x80: {  	_ =	shalt  }
0x81: {  	_ =	shalt  }
0x82: {  	_ =	shalt  }
0x83: {  	_ =	shalt  }
0x84: {  	_ =	shalt  }
0x85: {  	_ =	shalt  }
0x86: {  	_ =	shalt  }
0x87: {  	_ =	shalt  }
.Lfunc_end0:
.L_simem_size_0:
called_computation.1_lowered:
.L_overlay_start_0:
0x88: {  	s0 =	sld [smem:$0x3FD9]  }
0x89: {  	s1 =	sld [smem:$0x3FFE];
	_ =	sdelay $0x3  }
0x8a: {  	s0 =	sadd.s32 s1, s0  }
0x8b: {  	[smem:$0x3FC6] =	sst s0  }
0x8c: {  	_ = 	snop  }
0x8d: {  	s0 =	sld [smem:$0x3FD0];
	_ =	sdelay $0x2  }
0x8e: {  	s2 =	simm.s32 $0xA;
	s3 =	simm.s32 $0x10;
	s13 =	sld [smem:$0x3FC9]  }
0x8f: {  	[smem:s3], [sflag:s2] =	dma.local [hbm:s0], $0x1  }
0x90: {  	_ =	swait.eq [sflag:s2], $0x1  }
0x91: {  	[sflag:s2] =	ssyncset.done $0x0  }
0x92: {  	[sflag:s2] =	ssyncadd.s32 $0xFFFFFFFF  }
0x93: {  	s14 =	sld [smem:$0x10];
	(tm) =	ssettm $0x1  }
0x94: {  	s15 =	sld [smem:$0x3FFB];
	_ =	sdelay $0x3  }
0x95: {  	_ =	strace s15  }
0x96: {  	s2 =	sld [smem:$0x3FFC];
	_ =	sdelay $0x3  }
0x97: {  	_ =	strace s2  }
0x98: {  	s2 =	sld [smem:$0x3FFD];
	_ =	sdelay $0x3  }
0x99: {  	_ =	strace s2  }
0x9a: {  	_ =	strace $0x8FFFFFFF  }
0x9b: {  	s16 =	sld [smem:$0x3FDB];
	_ =	sdelay $0x1  }
0x9c: {  	s17 =	simm.s32 $_scs_section_size  }
0x9d: {  	s4 =	simm.s32 $_size__tile_overlayer_lowered;
	s5 =	simm.s32 $_tile_overlayer_lowered  }
0x9e: {  	s20 =	simm.s32 $0x1BFF;
	s19 =	sshll.u32 s5, $0x1;
	s2 =	sadd.s32 s17, s16  }
0x9f: {  	s6 =	simm.s32 $0x0;
	s18 =	sshll.u32 s4, $0x1;
	s4 =	sadd.s32 s19, s2  }
0xa0: {  	[timem:s6], [sflag:s20] =	dma.local [hbm:s4], s18  }
0xa1: {  	_ =	swait.ge [sflag:s20], s18  }
0xa2: {  	s3 =	ssub.s32 $0x0, s18;
	[sflag:s20] =	ssyncset.done $0x0  }
0xa3: {  	[sflag:s20] =	ssyncadd.s32 s3;
	_ =	sdelay $0x1  }
0xa4: {  	s21 =	simm.s32 $0x1B8B  }
0xa5: {  	_ =	swait.ge [sflag:s21], $0x1  }
0xa6: {  	[sflag:s21] =	ssyncset.done $0x0  }
0xa7: {  	s23 =	simm.s32 $0x1B8E;
	s22 =	sld [smem:$0x3FFE];
	[sflag:s21] =	ssyncadd.s32 $0xFFFFFFFF  }
0xa8: {  	s24 =	simm.s32 $execute0_lowered;
	[smem:$0x3FD2] =	sst s23  }
0xa9: {  	s4 =	sshll.u32 s24, $0x1;
	_ =	strace $0x80000049;
	[dreg:$0x1] =	wrdreg $0xFFFFFFFF  }
0xaa: {  	s25 =	simm.s32 $_size_execute0_lowered;
	s2 =	sadd.s32 s2, s4;
	[dreg:$0x0] =	wrdreg $0x0  }
0xab: {  	s4 =	sshll.u32 s25, $0x1;
	[dreg:$0x2] =	wrdreg s2  }
0xac: {  	[dreg:$0x3] =	wrdreg s4  }
0xad: {  	[dreg:$0x4] =	wrdreg $0xC0  }
0xae: {  	_ =	task [dreg:s6], $0x5FFFF  }
0xaf: {  	[dreg:$0x1] =	wrdreg $0xFFFFFFFF  }
0xb0: {  	[dreg:$0x0] =	wrdreg $0x60  }
0xb1: {  	[dreg:$0x2] =	wrdreg s22  }
0xb2: {  	[dreg:$0x3] =	wrdreg s13  }
0xb3: {  	[dreg:$0x4] =	wrdreg s14  }
0xb4: {  	[dreg:$0x5] =	wrdreg $0x151000  }
0xb5: {  	[dreg:$0x6] =	wrdreg $0x9  }
0xb6: {  	_ =	task.clear_ibuf [dreg:s6], $0x7FFFF;
	_ =	strace $0x90000049  }
0xb7: {  	s26 =	simm.s32 $0x9;
	_ =	strace $0x8000004B  }
0xb8: {  	_ =	swait.ge [sflag:s26], $0x1  }
0xb9: {  	[sflag:s26] =	ssyncadd.s32 $0xFFFFFFFF  }
0xba: {  	_ =	strace $0x9000004B  }
0xbb: {  	_ =	sfence  }
0xbc: {  	s28 =	sld [smem:$0x0];
	_ =	sdelay $0x1  }
0xbd: {  	s29 =	srdreg.scid  }
0xbe: {  	s30 =	sshll.u32 s29, $0xD;
	s31 =	sshrl.u32 s29, $0x2  }
0xbf: {  	s1 =	sand.u32 $0x1, s29;
	s2 =	sand.u32 $0x4000, s30;
	s0 =	sadd.s32 s31, s28  }
0xc0: {  	s1 =	sor.u32 s2, s1;
	s0 =	sshll.u32 s0, $0x11  }
0xc1: {  	s0 =	sor.u32 s0, s1  }
0xc2: {  	s0 =	sadd.s32 $0x8F2B, s0  }
0xc3: {  	[sflag:s0] =	ssyncadd.remote.s32 $0x1  }
0xc4: {  	_ =	sfence.sel $0xFFFF  }
0xc5: {  	[dreg:$0x0] =	wrdreg $0xFFFFFFFF;
	(pc) =	sbr.abs _section_cstart, $3  }
0xc6: {  	[dreg:$0x1] =	wrdreg $0xFFFFFFFF  }
0xc7: {  	_ =	task.clear_ibuf [dreg:s6], $0x2FFFF;
	_ =	strace $0x9FFFFFFF  }
0xc8: {  	(tm) =	ssettm $0x7FFFFFFF  }
0xc9: {  	_ =	shalt  }
tec
execute0_lowered:
.L_overlay_start_1:
0x0: {  	(tag) =	ssettag $0x1  }
0x1: {  	s9 =	rddreg [dreg:$0x0]  }
0x2: {  	s3 =	rddreg [dreg:$0x1];
	s0 =	stileid.u32  }
0x3: {  	s2 =	rddreg [dreg:$0x2];
	s7 =	smul.u32 $0x280, s0  }
0x4: {  	s8 =	rddreg [dreg:$0x3]  }
0x5: {  	s1 =	rddreg [dreg:$0x4];
	s4 =	simm.s32 $0x0;
	s6 =	sshrl.u32 s7, $0x3  }
0x6: {  	[smem:$0x7FF] =	sst s4;
	s5 =	sadd.s32 s6, s9  }
0x7: {  	s24 =	simm.s32 $0x2;
	_ =	strace $0x8000004A;
	s5 =	sadd.s32 $0x400, s5  }
0x8: {  	[tilespmem:s4], [sflag:$0x2] =	stream.linear.gather [hbm4b:s5+s4], $0x280, $0x38;
	[tilespmem:$0x15380] =	vst v63  }
0x9: {  	s12 =	sor.u32 $0x70, s7;
	_ =	swait.ge [sflag:s24], $0x280  }
0xa: {  	v0 =	vlaneseq.u32;
	s25 =	sadd.s32 $0xFFFFFF90, s12;
	[sflag:s24] =	ssyncset.done $0x0  }
0xb: {  	v1 =	vor.u32 s25, v0;
	s4 =	simm.s32 $0x6C0;
	[sflag:s24] =	ssyncadd.s32 $0xFFFFFD80  }
0xc: {  	s5 =	simm.s32 $0x40;
	[tilespmem:s4+$0xFFFFFFC0] =	vst v1  }
0xd: {  	v1 =	vld [tilespmem:s5+$0xFFFFFFC0];
	_ =	sdelay $0x3  }
0xe: {  	s10 =	simm.s32 $0x2C0;
	s11 =	sadd.s32 $0xFFFFFFA0, s12  }
0xf: {  	[tilespmem:s10+$0xFFFFFFC0] =	vst v1;
	v1 =	vor.u32 s11, v0  }
0x10: {  	[tilespmem:s4+$0xFFFFFFD0] =	vst v1  }
0x11: {  	v1 =	vld [tilespmem:s5+$0xFFFFFFD0];
	_ =	sdelay $0x3  }
0x12: {  	s26 =	sadd.s32 $0xFFFFFFB0, s12  }
0x13: {  	[tilespmem:s10+$0xFFFFFFD0] =	vst v1;
	v1 =	vor.u32 s26, v0  }
0x14: {  	[tilespmem:s4+$0xFFFFFFE0] =	vst v1  }
0x15: {  	v1 =	vld [tilespmem:s5+$0xFFFFFFE0];
	_ =	sdelay $0x3  }
0x16: {  	s28 =	sadd.s32 $0xFFFFFFC0, s12  }
0x17: {  	[tilespmem:s10+$0xFFFFFFE0] =	vst v1;
	v1 =	vor.u32 s28, v0  }
0x18: {  	[tilespmem:s4+$0xFFFFFFF0] =	vst v1  }
0x19: {  	v1 =	vld [tilespmem:s5+$0xFFFFFFF0];
	_ =	sdelay $0x3  }
0x1a: {  	s29 =	sadd.s32 $0xFFFFFFD0, s12  }
0x1b: {  	[tilespmem:s10+$0xFFFFFFF0] =	vst v1;
	v1 =	vor.u32 s29, v0  }
0x1c: {  	[tilespmem:s4+$0x0] =	vst v1  }
0x1d: {  	v1 =	vld [tilespmem:s5+$0x0];
	_ =	sdelay $0x3  }
0x1e: {  	s30 =	sadd.s32 $0xFFFFFFE0, s12  }
0x1f: {  	[tilespmem:s10+$0x0] =	vst v1;
	v1 =	vor.u32 s30, v0  }
0x20: {  	[tilespmem:s4+$0x10] =	vst v1  }
0x21: {  	v1 =	vld [tilespmem:s5+$0x10];
	_ =	sdelay $0x3  }
0x22: {  	s31 =	sadd.s32 $0xFFFFFFF0, s12  }
0x23: {  	[tilespmem:s10+$0x10] =	vst v1;
	v1 =	vor.u32 s31, v0  }
0x24: {  	[tilespmem:s4+$0x20] =	vst v1  }
0x25: {  	v1 =	vld [tilespmem:s5+$0x20];
	_ =	sdelay $0x4  }
0x26: {  	[tilespmem:s10+$0x20] =	vst v1;
	v1 =	vor.u32 s12, v0  }
0x27: {  	[tilespmem:s4+$0x30] =	vst v1  }
0x28: {  	v1 =	vld [tilespmem:s5+$0x30];
	_ =	sdelay $0x2  }
0x29: {  	s9 =	sadd.s32 $0xA00, s9;
	s11 =	simm.s32 $0x0;
	s12 =	sadd.s32 $0x80, s12  }
.LBB2_1:
0x2a: {  	s13 =	sadd.s32 $0xFFFFFF90, s12  }
0x2b: {  	s4 =	sadd.s32 $0x80, s4;
	v2 =	vor.u32 s13, v0;
	[tilespmem:s10+$0x30] =	vst v1  }
0x2c: {  	s5 =	sadd.s32 $0x80, s5;
	[tilespmem:s4+$0xFFFFFFC0] =	vst v2  }
0x2d: {  	v1 =	vld [tilespmem:s5+$0xFFFFFFC0];
	_ =	sdelay $0x3  }
0x2e: {  	s11 =	sadd.s32 $0x8, s11;
	s13 =	sadd.s32 $0xFFFFFFA0, s12;
	s10 =	sadd.s32 $0x80, s10  }
0x2f: {  	p0 =	slt.u32 s11, $0x20;
	[tilespmem:s10+$0xFFFFFFC0] =	vst v1;
	v1 =	vor.u32 s13, v0  }
0x30: {  	[tilespmem:s4+$0xFFFFFFD0] =	vst v1  }
0x31: {  	v1 =	vld [tilespmem:s5+$0xFFFFFFD0];
	_ =	sdelay $0x3  }
0x32: {  	s13 =	sadd.s32 $0xFFFFFFB0, s12  }
0x33: {  	[tilespmem:s10+$0xFFFFFFD0] =	vst v1;
	v1 =	vor.u32 s13, v0  }
0x34: {  	[tilespmem:s4+$0xFFFFFFE0] =	vst v1  }
0x35: {  	v1 =	vld [tilespmem:s5+$0xFFFFFFE0];
	_ =	sdelay $0x3  }
0x36: {  	s13 =	sadd.s32 $0xFFFFFFC0, s12  }
0x37: {  	[tilespmem:s10+$0xFFFFFFE0] =	vst v1;
	v1 =	vor.u32 s13, v0  }
0x38: {  	[tilespmem:s4+$0xFFFFFFF0] =	vst v1  }
0x39: {  	v1 =	vld [tilespmem:s5+$0xFFFFFFF0];
	_ =	sdelay $0x3  }
0x3a: {  	s13 =	sadd.s32 $0xFFFFFFD0, s12  }
0x3b: {  	[tilespmem:s10+$0xFFFFFFF0] =	vst v1;
	v1 =	vor.u32 s13, v0  }
0x3c: {  	[tilespmem:s4+$0x0] =	vst v1  }
0x3d: {  	v1 =	vld [tilespmem:s5+$0x0];
	_ =	sdelay $0x3  }
0x3e: {  	s13 =	sadd.s32 $0xFFFFFFE0, s12  }
0x3f: {  	[tilespmem:s10+$0x0] =	vst v1;
	v1 =	vor.u32 s13, v0  }
0x40: {  	[tilespmem:s4+$0x10] =	vst v1  }
0x41: {  	v1 =	vld [tilespmem:s5+$0x10];
	_ =	sdelay $0x3  }
0x42: {  	s13 =	sadd.s32 $0xFFFFFFF0, s12  }
0x43: {  	[tilespmem:s10+$0x10] =	vst v1;
	v1 =	vor.u32 s13, v0  }
0x44: {  	[tilespmem:s4+$0x20] =	vst v1  }
0x45: {  	v1 =	vld [tilespmem:s5+$0x20];
	_ =	sdelay $0x4  }
0x46: {  	[tilespmem:s10+$0x20] =	vst v1;
	v1 =	vor.u32 s12, v0  }
.Ltmp0:
0x47: {  	[tilespmem:s4+$0x30] =	vst v1;
	(pc) =	sbr.rel @p0 .LBB2_1-.Ltmp0, $2  }
0x48: {  	v1 =	vld [tilespmem:s5+$0x30];
	_ =	sdelay $0x2  }
0x49: {  	s12 =	sadd.s32 $0x80, s12  }
0x4a: {  	_ = 	snop  }
0x4b: {  	s4 =	simm.s32 $0x80;
	s5 =	simm.s32 $0x280;
	s29 =	simm.s32 $0x680;
	[tilespmem:s10+$0x30] =	vst v1  }
0x4c: {  	[spmem:s8] =	stream.indirect.scatter [tilespmem:s29], [sflag:$0x1], $0x1, s5, s4, $0xb8;
	[tilespmem:$0x15380] =	vst v63  }
0x4d: {  	s30 =	simm.s32 $0x300;
	s31 =	simm.s32 $0x700  }
0x4e: {  	[spmem:s8] =	stream.indirect.scatter [tilespmem:s31], [sflag:$0x1], $0x1, s30, s4, $0xb8;
	[tilespmem:$0x15380] =	vst v63  }
0x4f: {  	s11 =	simm.s32 $0x380;
	s12 =	simm.s32 $0x780  }
0x50: {  	[spmem:s8] =	stream.indirect.scatter [tilespmem:s12], [sflag:$0x1], $0x1, s11, s4, $0xb8;
	[tilespmem:$0x15380] =	vst v63  }
0x51: {  	s13 =	simm.s32 $0x400;
	s14 =	simm.s32 $0x800  }
0x52: {  	[spmem:s8] =	stream.indirect.scatter [tilespmem:s14], [sflag:$0x1], $0x1, s13, s4, $0xb8;
	[tilespmem:$0x15380] =	vst v63  }
0x53: {  	s15 =	simm.s32 $0x480;
	s16 =	simm.s32 $0x880;
	s17 =	simm.s32 $0x1  }
0x54: {  	[spmem:s8] =	stream.indirect.scatter [tilespmem:s16], [sflag:$0x1], $0x1, s15, s4, $0xb8;
	[tilespmem:$0x15380] =	vst v63  }
0x55: {  	_ =	swait.ge [sflag:s17], $0x80  }
0x56: {  	[sflag:s17] =	ssyncset.done $0x0  }
0x57: {  	[sflag:s17] =	ssyncadd.s32 $0xFFFFFF80  }
0x58: {  	_ =	swait.ge [sflag:s17], $0x80  }
0x59: {  	[sflag:s17] =	ssyncset.done $0x0  }
0x5a: {  	[sflag:s17] =	ssyncadd.s32 $0xFFFFFF80  }
0x5b: {  	_ =	swait.ge [sflag:s17], $0x80  }
0x5c: {  	[sflag:s17] =	ssyncset.done $0x0  }
0x5d: {  	[sflag:s17] =	ssyncadd.s32 $0xFFFFFF80  }
0x5e: {  	_ =	swait.ge [sflag:s17], $0x80  }
0x5f: {  	[sflag:s17] =	ssyncset.done $0x0  }
0x60: {  	[sflag:s17] =	ssyncadd.s32 $0xFFFFFF80  }
0x61: {  	_ =	swait.ge [sflag:s17], $0x80  }
0x62: {  	[sflag:s17] =	ssyncset.done $0x0  }
0x63: {  	s7 =	sadd.s32 s7, s8;
	[sflag:s17] =	ssyncadd.s32 $0xFFFFFF80  }
0x64: {  	s18 =	simm.s32 $0xA80;
	s19 =	simm.s32 $0x2;
	[bflag:$0x0] =	sbarrier.arrive $0xFFFF  }
0x65: {  	[tilespmem:s18], [sflag:$0x2] =	stream.linear.gather [spmem:s7], $0x280, $0x38;
	[tilespmem:$0x15380] =	vst v63  }
0x66: {  	_ =	swait.ge [sflag:s19], $0x280  }
0x67: {  	[sflag:s19] =	ssyncset.done $0x0  }
0x68: {  	s6 =	sadd.s32 s9, s6;
	s20 =	simm.s32 $0x0;
	[sflag:s19] =	ssyncadd.s32 $0xFFFFFD80  }
0x69: {  	[hbm4b:s6+s20] =	stream.linear.scatter [tilespmem:s18], [sflag:$0x2], $0x280, $0x38;
	[tilespmem:$0x15380] =	vst v63  }
0x6a: {  	_ =	swait.ge [sflag:s19], $0x280  }
0x6b: {  	[sflag:s19] =	ssyncset.done $0x0  }
0x6c: {  	[sflag:s19] =	ssyncadd.s32 $0xFFFFFD80  }
0x6d: {  	v0 =	vld [tilespmem:$0xA80]  }
0x6e: {  	v47 =	vld [tilespmem:$0xA90]  }
0x6f: {  	v2 =	vld [tilespmem:$0xAA0]  }
0x70: {  	v3 =	vld [tilespmem:$0xAB0]  }
0x71: {  	v4 =	vld [tilespmem:$0xAC0]  }
0x72: {  	v5 =	vld [tilespmem:$0xAD0];
	vm0 =	vlt.s32 v0, $0x270F  }
0x73: {  	v6 =	vld [tilespmem:$0xAE0];
	vm13 =	vlt.s32 v47, $0x270F;
	v0 =	vnsel vm0, $0x270F, v0  }
0x74: {  	v49 =	vld [tilespmem:$0xAF0];
	vm14 =	vlt.s32 v2, $0x270F;
	v48 =	vnsel vm13, $0x270F, v47;
	[tilespmem:$0xD00] =	vst v0  }
0x75: {  	v51 =	vld [tilespmem:$0xB00];
	vm15 =	vlt.s32 v3, $0x270F;
	v50 =	vnsel vm14, $0x270F, v2;
	[tilespmem:$0xD10] =	vst v48  }
0x76: {  	v53 =	vld [tilespmem:$0xB10];
	vm4 =	vlt.s32 v4, $0x270F;
	v52 =	vnsel vm15, $0x270F, v3;
	[tilespmem:$0xD20] =	vst v50  }
0x77: {  	v55 =	vld [tilespmem:$0xB20];
	vm5 =	vlt.s32 v5, $0x270F;
	v54 =	vnsel vm4, $0x270F, v4;
	[tilespmem:$0xD30] =	vst v52  }
0x78: {  	v57 =	vld [tilespmem:$0xB30];
	vm6 =	vlt.s32 v6, $0x270F;
	v56 =	vnsel vm5, $0x270F, v5;
	[tilespmem:$0xD40] =	vst v54  }
0x79: {  	v59 =	vld [tilespmem:$0xB40];
	vm7 =	vlt.s32 v49, $0x270F;
	v58 =	vnsel vm6, $0x270F, v6;
	[tilespmem:$0xD50] =	vst v56  }
0x7a: {  	v61 =	vld [tilespmem:$0xB50];
	vm8 =	vlt.s32 v51, $0x270F;
	v60 =	vnsel vm7, $0x270F, v49;
	[tilespmem:$0xD60] =	vst v58  }
0x7b: {  	v63 =	vld [tilespmem:$0xB60];
	vm9 =	vlt.s32 v53, $0x270F;
	v62 =	vnsel vm8, $0x270F, v51;
	[tilespmem:$0xD70] =	vst v60  }
0x7c: {  	v9 =	vld [tilespmem:$0xB70];
	vm10 =	vlt.s32 v55, $0x270F;
	v8 =	vnsel vm9, $0x270F, v53;
	[tilespmem:$0xD80] =	vst v62  }
0x7d: {  	v11 =	vld [tilespmem:$0xB80];
	vm11 =	vlt.s32 v57, $0x270F;
	v10 =	vnsel vm10, $0x270F, v55;
	[tilespmem:$0xD90] =	vst v8  }
0x7e: {  	v13 =	vld [tilespmem:$0xB90];
	vm12 =	vlt.s32 v59, $0x270F;
	v12 =	vnsel vm11, $0x270F, v57;
	[tilespmem:$0xDA0] =	vst v10  }
0x7f: {  	v15 =	vld [tilespmem:$0xBA0];
	v14 =	vnsel vm12, $0x270F, v59;
	vm13 =	vlt.s32 v61, $0x270F;
	[tilespmem:$0xDB0] =	vst v12  }
0x80: {  	v17 =	vld [tilespmem:$0xBB0];
	vm14 =	vlt.s32 v63, $0x270F;
	[tilespmem:$0xDC0] =	vst v14;
	v16 =	vnsel vm13, $0x270F, v61  }
0x81: {  	v19 =	vld [tilespmem:$0xBC0];
	vm15 =	vlt.s32 v9, $0x270F;
	v18 =	vnsel vm14, $0x270F, v63;
	[tilespmem:$0xDD0] =	vst v16  }
0x82: {  	v21 =	vld [tilespmem:$0xBD0];
	vm4 =	vlt.s32 v11, $0x270F;
	v20 =	vnsel vm15, $0x270F, v9;
	[tilespmem:$0xDE0] =	vst v18  }
0x83: {  	v23 =	vld [tilespmem:$0xBE0];
	vm5 =	vlt.s32 v13, $0x270F;
	v22 =	vnsel vm4, $0x270F, v11;
	[tilespmem:$0xDF0] =	vst v20  }
0x84: {  	v25 =	vld [tilespmem:$0xBF0];
	vm6 =	vlt.s32 v15, $0x270F;
	v24 =	vnsel vm5, $0x270F, v13;
	[tilespmem:$0xE00] =	vst v22  }
0x85: {  	v27 =	vld [tilespmem:$0xC00];
	vm7 =	vlt.s32 v17, $0x270F;
	v26 =	vnsel vm6, $0x270F, v15;
	[tilespmem:$0xE10] =	vst v24  }
0x86: {  	v29 =	vld [tilespmem:$0xC10];
	vm8 =	vlt.s32 v19, $0x270F;
	v28 =	vnsel vm7, $0x270F, v17;
	[tilespmem:$0xE20] =	vst v26  }
0x87: {  	v31 =	vld [tilespmem:$0xC20];
	vm9 =	vlt.s32 v21, $0x270F;
	v30 =	vnsel vm8, $0x270F, v19;
	[tilespmem:$0xE30] =	vst v28  }
0x88: {  	v33 =	vld [tilespmem:$0xC30];
	vm10 =	vlt.s32 v23, $0x270F;
	v32 =	vnsel vm9, $0x270F, v21;
	[tilespmem:$0xE40] =	vst v30  }
0x89: {  	v35 =	vld [tilespmem:$0xC40];
	vm11 =	vlt.s32 v25, $0x270F;
	v34 =	vnsel vm10, $0x270F, v23;
	[tilespmem:$0xE50] =	vst v32  }
0x8a: {  	v37 =	vld [tilespmem:$0xC50];
	vm12 =	vlt.s32 v27, $0x270F;
	v36 =	vnsel vm11, $0x270F, v25;
	[tilespmem:$0xE60] =	vst v34  }
0x8b: {  	v39 =	vld [tilespmem:$0xC60];
	v38 =	vnsel vm12, $0x270F, v27;
	vm13 =	vlt.s32 v29, $0x270F;
	[tilespmem:$0xE70] =	vst v36  }
0x8c: {  	v41 =	vld [tilespmem:$0xC70];
	vm14 =	vlt.s32 v31, $0x270F;
	[tilespmem:$0xE80] =	vst v38;
	v40 =	vnsel vm13, $0x270F, v29  }
0x8d: {  	v43 =	vld [tilespmem:$0xC80];
	vm15 =	vlt.s32 v33, $0x270F;
	v42 =	vnsel vm14, $0x270F, v31;
	[tilespmem:$0xE90] =	vst v40  }
0x8e: {  	v45 =	vld [tilespmem:$0xC90];
	vm4 =	vlt.s32 v35, $0x270F;
	v44 =	vnsel vm15, $0x270F, v33;
	[tilespmem:$0xEA0] =	vst v42  }
0x8f: {  	v47 =	vld [tilespmem:$0xCA0];
	vm5 =	vlt.s32 v37, $0x270F;
	v46 =	vnsel vm4, $0x270F, v35;
	[tilespmem:$0xEB0] =	vst v44  }
0x90: {  	v49 =	vld [tilespmem:$0xCB0];
	vm6 =	vlt.s32 v39, $0x270F;
	v48 =	vnsel vm5, $0x270F, v37;
	[tilespmem:$0xEC0] =	vst v46  }
0x91: {  	v51 =	vld [tilespmem:$0xCC0];
	vm7 =	vlt.s32 v41, $0x270F;
	v50 =	vnsel vm6, $0x270F, v39;
	[tilespmem:$0xED0] =	vst v48  }
0x92: {  	v53 =	vld [tilespmem:$0xCD0];
	vm8 =	vlt.s32 v43, $0x270F;
	v52 =	vnsel vm7, $0x270F, v41;
	[tilespmem:$0xEE0] =	vst v50  }
0x93: {  	v55 =	vld [tilespmem:$0xCE0];
	vm9 =	vlt.s32 v45, $0x270F;
	v54 =	vnsel vm8, $0x270F, v43;
	[tilespmem:$0xEF0] =	vst v52  }
0x94: {  	v57 =	vld [tilespmem:$0xCF0];
	v56 =	vnsel vm9, $0x270F, v45;
	[tilespmem:$0xF00] =	vst v54;
	vm10 =	vlt.s32 v47, $0x270F  }
0x95: {  	[tilespmem:$0xF10] =	vst v56;
	vm11 =	vlt.s32 v49, $0x270F;
	v58 =	vnsel vm10, $0x270F, v47  }
0x96: {  	vm12 =	vlt.s32 v51, $0x270F;
	v59 =	vnsel vm11, $0x270F, v49;
	[tilespmem:$0xF20] =	vst v58  }
0x97: {  	vm13 =	vlt.s32 v53, $0x270F;
	v60 =	vnsel vm12, $0x270F, v51;
	[tilespmem:$0xF30] =	vst v59  }
0x98: {  	vm14 =	vlt.s32 v55, $0x270F;
	v61 =	vnsel vm13, $0x270F, v53;
	[tilespmem:$0xF40] =	vst v60  }
0x99: {  	vm15 =	vlt.s32 v57, $0x270F;
	v62 =	vnsel vm14, $0x270F, v55;
	[tilespmem:$0xF50] =	vst v61  }
0x9a: {  	v63 =	vnsel vm15, $0x270F, v57;
	[tilespmem:$0xF60] =	vst v62  }
0x9b: {  	s21 =	simm.s32 $0xD00;
	s22 =	simm.s32 $0x1100;
	[tilespmem:$0xF70] =	vst v63  }
0x9c: {  	[tilespmem:s22], [sflag:$0x1] =	stream.indirect.gather [hbm4b:s3+s4], $0x80, s21, s4, $0xb8;
	[tilespmem:$0x15380] =	vst v63  }
0x9d: {  	s23 =	simm.s32 $0xD80;
	s24 =	simm.s32 $0x5100  }
0x9e: {  	[tilespmem:s24], [sflag:$0x1] =	stream.indirect.gather [hbm4b:s3+s4], $0x80, s23, s4, $0xb8;
	[tilespmem:$0x15380] =	vst v63  }
0x9f: {  	s25 =	simm.s32 $0xE00;
	s26 =	simm.s32 $0x9100  }
0xa0: {  	[tilespmem:s26], [sflag:$0x1] =	stream.indirect.gather [hbm4b:s3+s4], $0x80, s25, s4, $0xb8;
	[tilespmem:$0x15380] =	vst v63  }
0xa1: {  	s28 =	simm.s32 $0xE80;
	s29 =	simm.s32 $0xD100  }
0xa2: {  	[tilespmem:s29], [sflag:$0x1] =	stream.indirect.gather [hbm4b:s3+s4], $0x80, s28, s4, $0xb8;
	[tilespmem:$0x15380] =	vst v63  }
0xa3: {  	s30 =	simm.s32 $0xF00;
	s31 =	simm.s32 $0x11100  }
0xa4: {  	[tilespmem:s31], [sflag:$0x1] =	stream.indirect.gather [hbm4b:s3+s4], $0x80, s30, s4, $0xb8;
	[tilespmem:$0x15380] =	vst v63  }
0xa5: {  	_ =	swait.ge [sflag:s17], $0x4000  }
0xa6: {  	[sflag:s17] =	ssyncset.done $0x0  }
0xa7: {  	[sflag:s17] =	ssyncadd.s32 $0xFFFFC000  }
0xa8: {  	_ =	swait.ge [sflag:s17], $0x4000  }
0xa9: {  	[sflag:s17] =	ssyncset.done $0x0  }
0xaa: {  	[sflag:s17] =	ssyncadd.s32 $0xFFFFC000  }
0xab: {  	_ =	swait.ge [sflag:s17], $0x4000  }
0xac: {  	[sflag:s17] =	ssyncset.done $0x0  }
0xad: {  	[sflag:s17] =	ssyncadd.s32 $0xFFFFC000  }
0xae: {  	_ =	swait.ge [sflag:s17], $0x4000  }
0xaf: {  	[sflag:s17] =	ssyncset.done $0x0  }
0xb0: {  	[sflag:s17] =	ssyncadd.s32 $0xFFFFC000  }
0xb1: {  	p0 =	seq.s32 s0, $0xF;
	_ =	swait.ge [sflag:s17], $0x4000  }
0xb2: {  	s5 =	simm.s32 @p0 $0x1100;
	[sflag:s17] =	ssyncset.done $0x0  }
0xb3: {  	s3 =	sadd.s32 @p0 $0x25800, s2;
	s4 =	simm.s32 @p0 $0x0;
	[sflag:s17] =	ssyncadd.s32 $0xFFFFC000  }
0xb4: {  	[hbm4b:s3+s4] =	stream.linear.scatter @p0 [tilespmem:s5], [sflag:$0x2], $0xC800, $0x38;
	[tilespmem:$0x15380] =	vst v63  }
0xb5: {  	s3 =	simm.s32 @p0 $0x2;
	s4 =	smul.u32 @!p0 $0x2800, s0  }
0xb6: {  	_ =	swait.ge @p0 [sflag:s3], $0xC800  }
0xb7: {  	[sflag:s3] =	ssyncset.done @p0 $0x0;
	s2 =	sadd.s32 @!p0 s2, s4  }
0xb8: {  	s4 =	simm.s32 @!p0 $0x1100;
	[sflag:s3] =	ssyncadd.s32 @p0 $0xFFFF3800;
	s3 =	simm.s32 @!p0 $0x0  }
0xb9: {  	[hbm4b:s2+s3] =	stream.linear.scatter @!p0 [tilespmem:s4], [sflag:$0x2], $0x14000, $0x38;
	[tilespmem:$0x15380] =	vst v63  }
0xba: {  	s2 =	simm.s32 @!p0 $0x2  }
0xbb: {  	_ =	swait.ge @!p0 [sflag:s2], $0x14000  }
0xbc: {  	[sflag:s2] =	ssyncset.done @!p0 $0x0  }
0xbd: {  	[sflag:s2] =	ssyncadd.s32 @!p0 $0xFFFEC000  }
0xbe: {  	_ =	sfence.sel $0x180000  }
0xbf: {  	[bflag:$0x0] =	sbarrier.arrive $0xFFFF  }
0xc0: {  	p0 =	sne.s32 s0, $0x0;
	_ =	strace $0x9000004A  }
0xc1: {  	s0 =	sadd.s32 @!p0 $0x100000, s1;
	[bflag:$0x2] =	sbarrier.arrive $0xFFFF  }
0xc2: {  	[sflag:s0] =	ssyncadd.tile.s32 @!p0 $0x1;
	_ =	shalt  }
.Lfunc_end2:
_tile_overlayer_lowered:
.L_overlay_start_2:
0xc3: {  	(tag) =	ssettag $0x2  }
0xc4: {  	s0 =	rddreg [dreg:$0x0];
	s2 =	stileid.u32  }
0xc5: {  	s1 =	rddreg [dreg:$0x1];
	p0 =	sne.s32 s2, $0x0  }
0xc6: {  	s3 =	rddreg [dreg:$0x2];
	[bflag:$0x3] =	sbarrier.arrive $0xFFFF;
	s2 =	simm.s32 @!p0 $0x1C02  }
0xc7: {  	[timem:s3], [sflag:s2] =	dma.local @!p0 [hbm:s0], s1  }
0xc8: {  	s0 =	simm.s32 @!p0 $0x2  }
0xc9: {  	_ =	swait.ge @!p0 [sflag:s0], s1  }
0xca: {  	s1 =	ssub.s32 @!p0 $0x0, s1;
	[sflag:s0] =	ssyncset.done @!p0 $0x0  }
0xcb: {  	[sflag:s0] =	ssyncadd.s32 @!p0 s1  }
0xcc: {  	[bflag:$0x3] =	sbarrier.arrive $0xFFFF  }
0xcd: {  	_ =	shalt  }

</sc_bundles>
